<compile_context>
chip_gen: v7x
topology: tpu7x:2x2x1
jax: 0.10.2.dev20260603
libtpu: 0.0.44.dev20260713+nightly
codegen_flags: <defaults>
</compile_context>

<pallas_src>
import functools

import jax
import jax.numpy as jnp
from jax import lax
from jax.experimental import pallas as pl
from jax.experimental.pallas import tpu as pltpu
from jax.experimental.pallas import tpu_sc as plsc

_L = 16
_NC = 2
_NS = 16
_NW = _NC * _NS
_ROWS = 8192
_COLS = 512
_ROWS_PER_W = _ROWS // _NW
_CROWS = 32
_NCHUNKS = _ROWS_PER_W // _CROWS
_CELEMS = _CROWS * _COLS
_NBUF = 3


def _sc_table_gather(species, conv):
    mesh = plsc.VectorSubcoreMesh(core_axis_name="c", subcore_axis_name="s")

    @functools.partial(
        pl.kernel,
        mesh=mesh,
        out_type=jax.ShapeDtypeStruct((_ROWS, _COLS), jnp.int32),
        compiler_params=pltpu.CompilerParams(needs_layout_passes=False),
        scratch_types=(
            [pltpu.VMEM((128,), jnp.int32)]
            + [pltpu.VMEM((_CROWS, _COLS), jnp.int32)] * (2 * _NBUF)
            + [pltpu.SemaphoreType.DMA] * (2 * _NBUF)
        ),
    )
    def k(species_hbm, conv_hbm, out_hbm, conv_v, *rest):
        in_bufs = rest[:_NBUF]
        out_bufs = rest[_NBUF:2 * _NBUF]
        in_sems = rest[2 * _NBUF:3 * _NBUF]
        out_sems = rest[3 * _NBUF:]
        wid = lax.axis_index("s") * _NC + lax.axis_index("c")
        base = wid * _ROWS_PER_W

        def start_in(ci):
            return pltpu.async_copy(
                species_hbm.at[pl.ds(base + ci * _CROWS, _CROWS)],
                in_bufs[ci % _NBUF], in_sems[ci % _NBUF])

        def start_out(ci):
            return pltpu.async_copy(
                out_bufs[ci % _NBUF],
                out_hbm.at[pl.ds(base + ci * _CROWS, _CROWS)],
                out_sems[ci % _NBUF])

        def translate(src, dst):
            @plsc.parallel_loop(0, _CELEMS, _L, unroll=8)
            def body(i):
                r = i >> 9
                c = i & (_COLS - 1)
                idx = src[r, pl.ds(c, _L)]
                dst[r, pl.ds(c, _L)] = plsc.load_gather(conv_v, [idx])

        pending_in = {ci: start_in(ci) for ci in range(_NBUF - 1)}
        pending_out = {}
        pltpu.sync_copy(conv_hbm, conv_v.at[pl.ds(0, 120)])
        for ci in range(_NCHUNKS):
            b = ci % _NBUF
            if ci + _NBUF - 1 < _NCHUNKS:
                pending_in[ci + _NBUF - 1] = start_in(ci + _NBUF - 1)
            pending_in.pop(ci).wait()
            if ci - _NBUF in pending_out:
                pending_out.pop(ci - _NBUF).wait()
            translate(in_bufs[b], out_bufs[b])
            pending_out[ci] = start_out(ci)
        for ci in sorted(pending_out):
            pending_out.pop(ci).wait()

    return k(species, conv)


def kernel(species, coordinates, conv_tensor):
    out = _sc_table_gather(species.astype(jnp.int32), conv_tensor.astype(jnp.int32))
    return out.astype(conv_tensor.dtype), coordinates

# --- scband reference (transcript-rebuilt; emitter-appended) ---
"""Pipeline reference for scband-species-converter-59081570124653 (READ-ONLY COPY).

The authoritative reference and input builder live on the scoring server;
editing this copy changes nothing except your own understanding.
"""

import jax, jax.numpy as jnp
import numpy as np

# Build conv_tensor exactly like SpeciesConverter.__init__ with species=['H','C','N','O'].
# PERIODIC_TABLE enumeration starting at 1: H->1, C->6, N->7, O->8; maxidx=118 -> table size 120.

def _make_conv_tensor():
    conv = np.full((120,), -1, dtype=np.int64)
    rev_idx = {'H': 1, 'C': 6, 'N': 7, 'O': 8}
    for i, s in enumerate(['H', 'C', 'N', 'O']):
        conv[rev_idx[s]] = i
    return jnp.asarray(conv)


def setup_inputs(seed: int = 0) -> dict:
    key = jax.random.key(seed)
    k1, k2 = jax.random.split(key)
    species = jax.random.randint(k1, (8192, 512), 0, 9, dtype=jnp.int64)
    coordinates = jax.random.normal(k2, (8192, 512, 3), dtype=jnp.float32)
    conv_tensor = _make_conv_tensor()
    return {"species": species, "coordinates": coordinates, "conv_tensor": conv_tensor}


def reference(species, coordinates, conv_tensor):
    # SpeciesConverter.forward: gather internal indices from the conversion table,
    # coordinates are passed through untouched.
    species_out = jnp.take(conv_tensor, species, axis=0)
    return (species_out, coordinates)

if __name__ == "__main__":
    import jax
    _d = setup_inputs()
    print(jax.jit(kernel)(*tuple(_d.values())))

</pallas_src>

<mosaic_0001>
#map = affine_map<(d0, d1) -> (0, 0)>
#map1 = affine_map<(d0, d1) -> (0)>
module attributes {stable_mosaic.version = 14 : i64} {
  func.func @k(%arg0: i32, %arg1: i32, %arg2: memref<8192x512xi32, #tpu.memory_space<hbm>>, %arg3: memref<120xi32, #tpu.memory_space<hbm>>, %arg4: memref<8192x512xi32, #tpu.memory_space<hbm>>, %arg5: memref<128xi32, #tpu.memory_space<vmem>>, %arg6: memref<32x512xi32, #tpu.memory_space<vmem>>, %arg7: memref<32x512xi32, #tpu.memory_space<vmem>>, %arg8: memref<32x512xi32, #tpu.memory_space<vmem>>, %arg9: memref<32x512xi32, #tpu.memory_space<vmem>>, %arg10: memref<32x512xi32, #tpu.memory_space<vmem>>, %arg11: memref<32x512xi32, #tpu.memory_space<vmem>>, %arg12: memref<!tpu.dma_semaphore, #tpu.memory_space<semaphore_mem>>, %arg13: memref<!tpu.dma_semaphore, #tpu.memory_space<semaphore_mem>>, %arg14: memref<!tpu.dma_semaphore, #tpu.memory_space<semaphore_mem>>, %arg15: memref<!tpu.dma_semaphore, #tpu.memory_space<semaphore_mem>>, %arg16: memref<!tpu.dma_semaphore, #tpu.memory_space<semaphore_mem>>, %arg17: memref<!tpu.dma_semaphore, #tpu.memory_space<semaphore_mem>>) attributes {dimension_semantics = [#tpu.dimension_semantics<core_parallel>, #tpu.dimension_semantics<subcore_parallel>], iteration_bounds = array<i64: 2, 16>, scalar_prefetch = 0 : i64, scratch_operands = 13 : i64, tpu.core_type = #tpu.core_type<sc_vector_subcore>, window_params = [{transform_indices = #map}, {transform_indices = #map1}, {transform_indices = #map}]} {
    %mul3A = arith.constant 2 : i32
    %mul3A_0 = arith.muli %arg1, %mul3A : i32
    %add3A = arith.addi %mul3A_0, %arg0 : i32
    %mul3A_1 = arith.constant 256 : i32
    %mul3A_2 = arith.muli %add3A, %mul3A_1 : i32
    %add3A_3 = arith.constant 0 : i32
    %add3A_4 = arith.addi %mul3A_2, %add3A_3 : i32
    %dma_start3A = arith.constant 0 : i32
    %dma_start3A_5 = tpu.memref_slice %arg2[%add3A_4, %dma_start3A] : memref<8192x512xi32, #tpu.memory_space<hbm>> -> memref<32x512xi32, #tpu.memory_space<hbm>>
    %dma_start3A_6 = arith.constant 0 : i32
    %dma_start3A_7 = tpu.memref_slice %arg2[%add3A_4, %dma_start3A_6] : memref<8192x512xi32, #tpu.memory_space<hbm>> -> memref<32x512xi32, #tpu.memory_space<hbm>>
    tpu.enqueue_dma source(%dma_start3A_7 : memref<32x512xi32, #tpu.memory_space<hbm>>) target(%arg6 : memref<32x512xi32, #tpu.memory_space<vmem>>) target_semaphore(%arg12 : memref<!tpu.dma_semaphore, #tpu.memory_space<semaphore_mem>>)
    %add3A_8 = arith.constant 32 : i32
    %add3A_9 = arith.addi %mul3A_2, %add3A_8 : i32
    %dma_start3A_10 = arith.constant 0 : i32
    %dma_start3A_11 = tpu.memref_slice %arg2[%add3A_9, %dma_start3A_10] : memref<8192x512xi32, #tpu.memory_space<hbm>> -> memref<32x512xi32, #tpu.memory_space<hbm>>
    %dma_start3A_12 = arith.constant 0 : i32
    %dma_start3A_13 = tpu.memref_slice %arg2[%add3A_9, %dma_start3A_12] : memref<8192x512xi32, #tpu.memory_space<hbm>> -> memref<32x512xi32, #tpu.memory_space<hbm>>
    tpu.enqueue_dma source(%dma_start3A_13 : memref<32x512xi32, #tpu.memory_space<hbm>>) target(%arg7 : memref<32x512xi32, #tpu.memory_space<vmem>>) target_semaphore(%arg13 : memref<!tpu.dma_semaphore, #tpu.memory_space<semaphore_mem>>)
    "tpu.region"() ({
      %run_scoped3A = tpu.sem_alloc : memref<!tpu.dma_semaphore, #tpu.memory_space<semaphore_mem>>
      %dma_start3A_184 = arith.constant 0 : i32
      %dma_start3A_185 = tpu.memref_slice %arg5[%dma_start3A_184] : memref<128xi32, #tpu.memory_space<vmem>> -> memref<120xi32, #tpu.memory_space<vmem>>
      %dma_start3A_186 = arith.constant 0 : i32
      %dma_start3A_187 = tpu.memref_slice %arg5[%dma_start3A_186] : memref<128xi32, #tpu.memory_space<vmem>> -> memref<120xi32, #tpu.memory_space<vmem>>
      tpu.enqueue_dma source(%arg3 : memref<120xi32, #tpu.memory_space<hbm>>) target(%dma_start3A_187 : memref<120xi32, #tpu.memory_space<vmem>>) target_semaphore(%run_scoped3A : memref<!tpu.dma_semaphore, #tpu.memory_space<semaphore_mem>>)
      %dma_wait3A_188 = arith.constant 0 : i32
      %dma_wait3A_189 = tpu.memref_slice %arg5[%dma_wait3A_188] : memref<128xi32, #tpu.memory_space<vmem>> -> memref<120xi32, #tpu.memory_space<vmem>>
      %dma_wait3A_190 = arith.constant 0 : i32
      %dma_wait3A_191 = tpu.memref_slice %arg5[%dma_wait3A_190] : memref<128xi32, #tpu.memory_space<vmem>> -> memref<120xi32, #tpu.memory_space<vmem>>
      tpu.wait_dma2 semaphore(%run_scoped3A : memref<!tpu.dma_semaphore, #tpu.memory_space<semaphore_mem>>) src(%arg3 : memref<120xi32, #tpu.memory_space<hbm>>) dst(%dma_wait3A_191 : memref<120xi32, #tpu.memory_space<vmem>>)
      tpu.yield
    }) : () -> ()
    %add3A_14 = arith.constant 64 : i32
    %add3A_15 = arith.addi %mul3A_2, %add3A_14 : i32
    %dma_start3A_16 = arith.constant 0 : i32
    %dma_start3A_17 = tpu.memref_slice %arg2[%add3A_15, %dma_start3A_16] : memref<8192x512xi32, #tpu.memory_space<hbm>> -> memref<32x512xi32, #tpu.memory_space<hbm>>
    %dma_start3A_18 = arith.constant 0 : i32
    %dma_start3A_19 = tpu.memref_slice %arg2[%add3A_15, %dma_start3A_18] : memref<8192x512xi32, #tpu.memory_space<hbm>> -> memref<32x512xi32, #tpu.memory_space<hbm>>
    tpu.enqueue_dma source(%dma_start3A_19 : memref<32x512xi32, #tpu.memory_space<hbm>>) target(%arg8 : memref<32x512xi32, #tpu.memory_space<vmem>>) target_semaphore(%arg14 : memref<!tpu.dma_semaphore, #tpu.memory_space<semaphore_mem>>)
    %dma_wait3A = arith.constant 0 : i32
    %dma_wait3A_20 = tpu.memref_slice %arg2[%add3A_4, %dma_wait3A] : memref<8192x512xi32, #tpu.memory_space<hbm>> -> memref<32x512xi32, #tpu.memory_space<hbm>>
    %dma_wait3A_21 = arith.constant 0 : i32
    %dma_wait3A_22 = tpu.memref_slice %arg2[%add3A_4, %dma_wait3A_21] : memref<8192x512xi32, #tpu.memory_space<hbm>> -> memref<32x512xi32, #tpu.memory_space<hbm>>
    tpu.wait_dma2 semaphore(%arg12 : memref<!tpu.dma_semaphore, #tpu.memory_space<semaphore_mem>>) src(%dma_wait3A_22 : memref<32x512xi32, #tpu.memory_space<hbm>>) dst(%arg6 : memref<32x512xi32, #tpu.memory_space<vmem>>)
    %parallel_loop3A = arith.constant 0 : i32
    %parallel_loop3A_23 = arith.constant 16384 : i32
    %parallel_loop3A_24 = arith.constant 16 : i32
    scf.for %parallel_loop3A_184 = %parallel_loop3A to %parallel_loop3A_23 step %parallel_loop3A_24  : i32 {
      %parallel_loop3A_185 = arith.constant 9 : i32
      %parallel_loop3A_186 = arith.shrsi %parallel_loop3A_184, %parallel_loop3A_185 : i32
      %parallel_loop3A_187 = arith.constant 511 : i32
      %parallel_loop3A_188 = arith.andi %parallel_loop3A_184, %parallel_loop3A_187 : i32
      %parallel_loop3A_189 = arith.index_cast %parallel_loop3A_186 : i32 to index
      %parallel_loop3A_190 = arith.index_cast %parallel_loop3A_188 : i32 to index
      %parallel_loop3A_191 = tpu.vector_load %arg6[%parallel_loop3A_189, %parallel_loop3A_190] {strides = array<i32>} : memref<32x512xi32, #tpu.memory_space<vmem>>, vector<16xi32>,
      %parallel_loop3A_192 = tpu.vector_load_idx %arg5[%parallel_loop3A_191] : memref<128xi32, #tpu.memory_space<vmem>>[vector<16xi32>], vector<16xi32>,
      %parallel_loop3A_193 = arith.index_cast %parallel_loop3A_186 : i32 to index
      %parallel_loop3A_194 = arith.index_cast %parallel_loop3A_188 : i32 to index
      %parallel_loop3A_195 = tpu.vector_load %arg9[%parallel_loop3A_193, %parallel_loop3A_194] {strides = array<i32>} : memref<32x512xi32, #tpu.memory_space<vmem>>, vector<16xi32>,
      tpu.vector_store %arg9[%parallel_loop3A_193, %parallel_loop3A_194], %parallel_loop3A_192 {strides = array<i32>} : memref<32x512xi32, #tpu.memory_space<vmem>>, vector<16xi32>,
    } {sc.loop_unroll_factor = 8 : i64, sc.parallel_access}
    %add3A_25 = arith.constant 0 : i32
    %add3A_26 = arith.addi %mul3A_2, %add3A_25 : i32
    %dma_start3A_27 = arith.constant 0 : i32
    %dma_start3A_28 = tpu.memref_slice %arg4[%add3A_26, %dma_start3A_27] : memref<8192x512xi32, #tpu.memory_space<hbm>> -> memref<32x512xi32, #tpu.memory_space<hbm>>
    %dma_start3A_29 = arith.constant 0 : i32
    %dma_start3A_30 = tpu.memref_slice %arg4[%add3A_26, %dma_start3A_29] : memref<8192x512xi32, #tpu.memory_space<hbm>> -> memref<32x512xi32, #tpu.memory_space<hbm>>
    tpu.enqueue_dma source(%arg9 : memref<32x512xi32, #tpu.memory_space<vmem>>) target(%dma_start3A_30 : memref<32x512xi32, #tpu.memory_space<hbm>>) target_semaphore(%arg15 : memref<!tpu.dma_semaphore, #tpu.memory_space<semaphore_mem>>)
    %add3A_31 = arith.constant 96 : i32
    %add3A_32 = arith.addi %mul3A_2, %add3A_31 : i32
    %dma_start3A_33 = arith.constant 0 : i32
    %dma_start3A_34 = tpu.memref_slice %arg2[%add3A_32, %dma_start3A_33] : memref<8192x512xi32, #tpu.memory_space<hbm>> -> memref<32x512xi32, #tpu.memory_space<hbm>>
    %dma_start3A_35 = arith.constant 0 : i32
    %dma_start3A_36 = tpu.memref_slice %arg2[%add3A_32, %dma_start3A_35] : memref<8192x512xi32, #tpu.memory_space<hbm>> -> memref<32x512xi32, #tpu.memory_space<hbm>>
    tpu.enqueue_dma source(%dma_start3A_36 : memref<32x512xi32, #tpu.memory_space<hbm>>) target(%arg6 : memref<32x512xi32, #tpu.memory_space<vmem>>) target_semaphore(%arg12 : memref<!tpu.dma_semaphore, #tpu.memory_space<semaphore_mem>>)
    %dma_wait3A_37 = arith.constant 0 : i32
    %dma_wait3A_38 = tpu.memref_slice %arg2[%add3A_9, %dma_wait3A_37] : memref<8192x512xi32, #tpu.memory_space<hbm>> -> memref<32x512xi32, #tpu.memory_space<hbm>>
    %dma_wait3A_39 = arith.constant 0 : i32
    %dma_wait3A_40 = tpu.memref_slice %arg2[%add3A_9, %dma_wait3A_39] : memref<8192x512xi32, #tpu.memory_space<hbm>> -> memref<32x512xi32, #tpu.memory_space<hbm>>
    tpu.wait_dma2 semaphore(%arg13 : memref<!tpu.dma_semaphore, #tpu.memory_space<semaphore_mem>>) src(%dma_wait3A_40 : memref<32x512xi32, #tpu.memory_space<hbm>>) dst(%arg7 : memref<32x512xi32, #tpu.memory_space<vmem>>)
    %parallel_loop3A_41 = arith.constant 0 : i32
    %parallel_loop3A_42 = arith.constant 16384 : i32
    %parallel_loop3A_43 = arith.constant 16 : i32
    scf.for %parallel_loop3A_184 = %parallel_loop3A_41 to %parallel_loop3A_42 step %parallel_loop3A_43  : i32 {
      %parallel_loop3A_185 = arith.constant 9 : i32
      %parallel_loop3A_186 = arith.shrsi %parallel_loop3A_184, %parallel_loop3A_185 : i32
      %parallel_loop3A_187 = arith.constant 511 : i32
      %parallel_loop3A_188 = arith.andi %parallel_loop3A_184, %parallel_loop3A_187 : i32
      %parallel_loop3A_189 = arith.index_cast %parallel_loop3A_186 : i32 to index
      %parallel_loop3A_190 = arith.index_cast %parallel_loop3A_188 : i32 to index
      %parallel_loop3A_191 = tpu.vector_load %arg7[%parallel_loop3A_189, %parallel_loop3A_190] {strides = array<i32>} : memref<32x512xi32, #tpu.memory_space<vmem>>, vector<16xi32>,
      %parallel_loop3A_192 = tpu.vector_load_idx %arg5[%parallel_loop3A_191] : memref<128xi32, #tpu.memory_space<vmem>>[vector<16xi32>], vector<16xi32>,
      %parallel_loop3A_193 = arith.index_cast %parallel_loop3A_186 : i32 to index
      %parallel_loop3A_194 = arith.index_cast %parallel_loop3A_188 : i32 to index
      %parallel_loop3A_195 = tpu.vector_load %arg10[%parallel_loop3A_193, %parallel_loop3A_194] {strides = array<i32>} : memref<32x512xi32, #tpu.memory_space<vmem>>, vector<16xi32>,
      tpu.vector_store %arg10[%parallel_loop3A_193, %parallel_loop3A_194], %parallel_loop3A_192 {strides = array<i32>} : memref<32x512xi32, #tpu.memory_space<vmem>>, vector<16xi32>,
    } {sc.loop_unroll_factor = 8 : i64, sc.parallel_access}
    %add3A_44 = arith.constant 32 : i32
    %add3A_45 = arith.addi %mul3A_2, %add3A_44 : i32
    %dma_start3A_46 = arith.constant 0 : i32
    %dma_start3A_47 = tpu.memref_slice %arg4[%add3A_45, %dma_start3A_46] : memref<8192x512xi32, #tpu.memory_space<hbm>> -> memref<32x512xi32, #tpu.memory_space<hbm>>
    %dma_start3A_48 = arith.constant 0 : i32
    %dma_start3A_49 = tpu.memref_slice %arg4[%add3A_45, %dma_start3A_48] : memref<8192x512xi32, #tpu.memory_space<hbm>> -> memref<32x512xi32, #tpu.memory_space<hbm>>
    tpu.enqueue_dma source(%arg10 : memref<32x512xi32, #tpu.memory_space<vmem>>) target(%dma_start3A_49 : memref<32x512xi32, #tpu.memory_space<hbm>>) target_semaphore(%arg16 : memref<!tpu.dma_semaphore, #tpu.memory_space<semaphore_mem>>)
    %add3A_50 = arith.constant 128 : i32
    %add3A_51 = arith.addi %mul3A_2, %add3A_50 : i32
    %dma_start3A_52 = arith.constant 0 : i32
    %dma_start3A_53 = tpu.memref_slice %arg2[%add3A_51, %dma_start3A_52] : memref<8192x512xi32, #tpu.memory_space<hbm>> -> memref<32x512xi32, #tpu.memory_space<hbm>>
    %dma_start3A_54 = arith.constant 0 : i32
    %dma_start3A_55 = tpu.memref_slice %arg2[%add3A_51, %dma_start3A_54] : memref<8192x512xi32, #tpu.memory_space<hbm>> -> memref<32x512xi32, #tpu.memory_space<hbm>>
    tpu.enqueue_dma source(%dma_start3A_55 : memref<32x512xi32, #tpu.memory_space<hbm>>) target(%arg7 : memref<32x512xi32, #tpu.memory_space<vmem>>) target_semaphore(%arg13 : memref<!tpu.dma_semaphore, #tpu.memory_space<semaphore_mem>>)
    %dma_wait3A_56 = arith.constant 0 : i32
    %dma_wait3A_57 = tpu.memref_slice %arg2[%add3A_15, %dma_wait3A_56] : memref<8192x512xi32, #tpu.memory_space<hbm>> -> memref<32x512xi32, #tpu.memory_space<hbm>>
    %dma_wait3A_58 = arith.constant 0 : i32
    %dma_wait3A_59 = tpu.memref_slice %arg2[%add3A_15, %dma_wait3A_58] : memref<8192x512xi32, #tpu.memory_space<hbm>> -> memref<32x512xi32, #tpu.memory_space<hbm>>
    tpu.wait_dma2 semaphore(%arg14 : memref<!tpu.dma_semaphore, #tpu.memory_space<semaphore_mem>>) src(%dma_wait3A_59 : memref<32x512xi32, #tpu.memory_space<hbm>>) dst(%arg8 : memref<32x512xi32, #tpu.memory_space<vmem>>)
    %parallel_loop3A_60 = arith.constant 0 : i32
    %parallel_loop3A_61 = arith.constant 16384 : i32
    %parallel_loop3A_62 = arith.constant 16 : i32
    scf.for %parallel_loop3A_184 = %parallel_loop3A_60 to %parallel_loop3A_61 step %parallel_loop3A_62  : i32 {
      %parallel_loop3A_185 = arith.constant 9 : i32
      %parallel_loop3A_186 = arith.shrsi %parallel_loop3A_184, %parallel_loop3A_185 : i32
      %parallel_loop3A_187 = arith.constant 511 : i32
      %parallel_loop3A_188 = arith.andi %parallel_loop3A_184, %parallel_loop3A_187 : i32
      %parallel_loop3A_189 = arith.index_cast %parallel_loop3A_186 : i32 to index
      %parallel_loop3A_190 = arith.index_cast %parallel_loop3A_188 : i32 to index
      %parallel_loop3A_191 = tpu.vector_load %arg8[%parallel_loop3A_189, %parallel_loop3A_190] {strides = array<i32>} : memref<32x512xi32, #tpu.memory_space<vmem>>, vector<16xi32>,
      %parallel_loop3A_192 = tpu.vector_load_idx %arg5[%parallel_loop3A_191] : memref<128xi32, #tpu.memory_space<vmem>>[vector<16xi32>], vector<16xi32>,
      %parallel_loop3A_193 = arith.index_cast %parallel_loop3A_186 : i32 to index
      %parallel_loop3A_194 = arith.index_cast %parallel_loop3A_188 : i32 to index
      %parallel_loop3A_195 = tpu.vector_load %arg11[%parallel_loop3A_193, %parallel_loop3A_194] {strides = array<i32>} : memref<32x512xi32, #tpu.memory_space<vmem>>, vector<16xi32>,
      tpu.vector_store %arg11[%parallel_loop3A_193, %parallel_loop3A_194], %parallel_loop3A_192 {strides = array<i32>} : memref<32x512xi32, #tpu.memory_space<vmem>>, vector<16xi32>,
    } {sc.loop_unroll_factor = 8 : i64, sc.parallel_access}
    %add3A_63 = arith.constant 64 : i32
    %add3A_64 = arith.addi %mul3A_2, %add3A_63 : i32
    %dma_start3A_65 = arith.constant 0 : i32
    %dma_start3A_66 = tpu.memref_slice %arg4[%add3A_64, %dma_start3A_65] : memref<8192x512xi32, #tpu.memory_space<hbm>> -> memref<32x512xi32, #tpu.memory_space<hbm>>
    %dma_start3A_67 = arith.constant 0 : i32
    %dma_start3A_68 = tpu.memref_slice %arg4[%add3A_64, %dma_start3A_67] : memref<8192x512xi32, #tpu.memory_space<hbm>> -> memref<32x512xi32, #tpu.memory_space<hbm>>
    tpu.enqueue_dma source(%arg11 : memref<32x512xi32, #tpu.memory_space<vmem>>) target(%dma_start3A_68 : memref<32x512xi32, #tpu.memory_space<hbm>>) target_semaphore(%arg17 : memref<!tpu.dma_semaphore, #tpu.memory_space<semaphore_mem>>)
    %add3A_69 = arith.constant 160 : i32
    %add3A_70 = arith.addi %mul3A_2, %add3A_69 : i32
    %dma_start3A_71 = arith.constant 0 : i32
    %dma_start3A_72 = tpu.memref_slice %arg2[%add3A_70, %dma_start3A_71] : memref<8192x512xi32, #tpu.memory_space<hbm>> -> memref<32x512xi32, #tpu.memory_space<hbm>>
    %dma_start3A_73 = arith.constant 0 : i32
    %dma_start3A_74 = tpu.memref_slice %arg2[%add3A_70, %dma_start3A_73] : memref<8192x512xi32, #tpu.memory_space<hbm>> -> memref<32x512xi32, #tpu.memory_space<hbm>>
    tpu.enqueue_dma source(%dma_start3A_74 : memref<32x512xi32, #tpu.memory_space<hbm>>) target(%arg8 : memref<32x512xi32, #tpu.memory_space<vmem>>) target_semaphore(%arg14 : memref<!tpu.dma_semaphore, #tpu.memory_space<semaphore_mem>>)
    %dma_wait3A_75 = arith.constant 0 : i32
    %dma_wait3A_76 = tpu.memref_slice %arg2[%add3A_32, %dma_wait3A_75] : memref<8192x512xi32, #tpu.memory_space<hbm>> -> memref<32x512xi32, #tpu.memory_space<hbm>>
    %dma_wait3A_77 = arith.constant 0 : i32
    %dma_wait3A_78 = tpu.memref_slice %arg2[%add3A_32, %dma_wait3A_77] : memref<8192x512xi32, #tpu.memory_space<hbm>> -> memref<32x512xi32, #tpu.memory_space<hbm>>
    tpu.wait_dma2 semaphore(%arg12 : memref<!tpu.dma_semaphore, #tpu.memory_space<semaphore_mem>>) src(%dma_wait3A_78 : memref<32x512xi32, #tpu.memory_space<hbm>>) dst(%arg6 : memref<32x512xi32, #tpu.memory_space<vmem>>)
    %dma_wait3A_79 = arith.constant 0 : i32
    %dma_wait3A_80 = tpu.memref_slice %arg4[%add3A_26, %dma_wait3A_79] : memref<8192x512xi32, #tpu.memory_space<hbm>> -> memref<32x512xi32, #tpu.memory_space<hbm>>
    %dma_wait3A_81 = arith.constant 0 : i32
    %dma_wait3A_82 = tpu.memref_slice %arg4[%add3A_26, %dma_wait3A_81] : memref<8192x512xi32, #tpu.memory_space<hbm>> -> memref<32x512xi32, #tpu.memory_space<hbm>>
    tpu.wait_dma2 semaphore(%arg15 : memref<!tpu.dma_semaphore, #tpu.memory_space<semaphore_mem>>) src(%arg9 : memref<32x512xi32, #tpu.memory_space<vmem>>) dst(%dma_wait3A_82 : memref<32x512xi32, #tpu.memory_space<hbm>>)
    %parallel_loop3A_83 = arith.constant 0 : i32
    %parallel_loop3A_84 = arith.constant 16384 : i32
    %parallel_loop3A_85 = arith.constant 16 : i32
    scf.for %parallel_loop3A_184 = %parallel_loop3A_83 to %parallel_loop3A_84 step %parallel_loop3A_85  : i32 {
      %parallel_loop3A_185 = arith.constant 9 : i32
      %parallel_loop3A_186 = arith.shrsi %parallel_loop3A_184, %parallel_loop3A_185 : i32
      %parallel_loop3A_187 = arith.constant 511 : i32
      %parallel_loop3A_188 = arith.andi %parallel_loop3A_184, %parallel_loop3A_187 : i32
      %parallel_loop3A_189 = arith.index_cast %parallel_loop3A_186 : i32 to index
      %parallel_loop3A_190 = arith.index_cast %parallel_loop3A_188 : i32 to index
      %parallel_loop3A_191 = tpu.vector_load %arg6[%parallel_loop3A_189, %parallel_loop3A_190] {strides = array<i32>} : memref<32x512xi32, #tpu.memory_space<vmem>>, vector<16xi32>,
      %parallel_loop3A_192 = tpu.vector_load_idx %arg5[%parallel_loop3A_191] : memref<128xi32, #tpu.memory_space<vmem>>[vector<16xi32>], vector<16xi32>,
      %parallel_loop3A_193 = arith.index_cast %parallel_loop3A_186 : i32 to index
      %parallel_loop3A_194 = arith.index_cast %parallel_loop3A_188 : i32 to index
      %parallel_loop3A_195 = tpu.vector_load %arg9[%parallel_loop3A_193, %parallel_loop3A_194] {strides = array<i32>} : memref<32x512xi32, #tpu.memory_space<vmem>>, vector<16xi32>,
      tpu.vector_store %arg9[%parallel_loop3A_193, %parallel_loop3A_194], %parallel_loop3A_192 {strides = array<i32>} : memref<32x512xi32, #tpu.memory_space<vmem>>, vector<16xi32>,
    } {sc.loop_unroll_factor = 8 : i64, sc.parallel_access}
    %add3A_86 = arith.constant 96 : i32
    %add3A_87 = arith.addi %mul3A_2, %add3A_86 : i32
    %dma_start3A_88 = arith.constant 0 : i32
    %dma_start3A_89 = tpu.memref_slice %arg4[%add3A_87, %dma_start3A_88] : memref<8192x512xi32, #tpu.memory_space<hbm>> -> memref<32x512xi32, #tpu.memory_space<hbm>>
    %dma_start3A_90 = arith.constant 0 : i32
    %dma_start3A_91 = tpu.memref_slice %arg4[%add3A_87, %dma_start3A_90] : memref<8192x512xi32, #tpu.memory_space<hbm>> -> memref<32x512xi32, #tpu.memory_space<hbm>>
    tpu.enqueue_dma source(%arg9 : memref<32x512xi32, #tpu.memory_space<vmem>>) target(%dma_start3A_91 : memref<32x512xi32, #tpu.memory_space<hbm>>) target_semaphore(%arg15 : memref<!tpu.dma_semaphore, #tpu.memory_space<semaphore_mem>>)
    %add3A_92 = arith.constant 192 : i32
    %add3A_93 = arith.addi %mul3A_2, %add3A_92 : i32
    %dma_start3A_94 = arith.constant 0 : i32
    %dma_start3A_95 = tpu.memref_slice %arg2[%add3A_93, %dma_start3A_94] : memref<8192x512xi32, #tpu.memory_space<hbm>> -> memref<32x512xi32, #tpu.memory_space<hbm>>
    %dma_start3A_96 = arith.constant 0 : i32
    %dma_start3A_97 = tpu.memref_slice %arg2[%add3A_93, %dma_start3A_96] : memref<8192x512xi32, #tpu.memory_space<hbm>> -> memref<32x512xi32, #tpu.memory_space<hbm>>
    tpu.enqueue_dma source(%dma_start3A_97 : memref<32x512xi32, #tpu.memory_space<hbm>>) target(%arg6 : memref<32x512xi32, #tpu.memory_space<vmem>>) target_semaphore(%arg12 : memref<!tpu.dma_semaphore, #tpu.memory_space<semaphore_mem>>)
    %dma_wait3A_98 = arith.constant 0 : i32
    %dma_wait3A_99 = tpu.memref_slice %arg2[%add3A_51, %dma_wait3A_98] : memref<8192x512xi32, #tpu.memory_space<hbm>> -> memref<32x512xi32, #tpu.memory_space<hbm>>
    %dma_wait3A_100 = arith.constant 0 : i32
    %dma_wait3A_101 = tpu.memref_slice %arg2[%add3A_51, %dma_wait3A_100] : memref<8192x512xi32, #tpu.memory_space<hbm>> -> memref<32x512xi32, #tpu.memory_space<hbm>>
    tpu.wait_dma2 semaphore(%arg13 : memref<!tpu.dma_semaphore, #tpu.memory_space<semaphore_mem>>) src(%dma_wait3A_101 : memref<32x512xi32, #tpu.memory_space<hbm>>) dst(%arg7 : memref<32x512xi32, #tpu.memory_space<vmem>>)
    %dma_wait3A_102 = arith.constant 0 : i32
    %dma_wait3A_103 = tpu.memref_slice %arg4[%add3A_45, %dma_wait3A_102] : memref<8192x512xi32, #tpu.memory_space<hbm>> -> memref<32x512xi32, #tpu.memory_space<hbm>>
    %dma_wait3A_104 = arith.constant 0 : i32
    %dma_wait3A_105 = tpu.memref_slice %arg4[%add3A_45, %dma_wait3A_104] : memref<8192x512xi32, #tpu.memory_space<hbm>> -> memref<32x512xi32, #tpu.memory_space<hbm>>
    tpu.wait_dma2 semaphore(%arg16 : memref<!tpu.dma_semaphore, #tpu.memory_space<semaphore_mem>>) src(%arg10 : memref<32x512xi32, #tpu.memory_space<vmem>>) dst(%dma_wait3A_105 : memref<32x512xi32, #tpu.memory_space<hbm>>)
    %parallel_loop3A_106 = arith.constant 0 : i32
    %parallel_loop3A_107 = arith.constant 16384 : i32
    %parallel_loop3A_108 = arith.constant 16 : i32
    scf.for %parallel_loop3A_184 = %parallel_loop3A_106 to %parallel_loop3A_107 step %parallel_loop3A_108  : i32 {
      %parallel_loop3A_185 = arith.constant 9 : i32
      %parallel_loop3A_186 = arith.shrsi %parallel_loop3A_184, %parallel_loop3A_185 : i32
      %parallel_loop3A_187 = arith.constant 511 : i32
      %parallel_loop3A_188 = arith.andi %parallel_loop3A_184, %parallel_loop3A_187 : i32
      %parallel_loop3A_189 = arith.index_cast %parallel_loop3A_186 : i32 to index
      %parallel_loop3A_190 = arith.index_cast %parallel_loop3A_188 : i32 to index
      %parallel_loop3A_191 = tpu.vector_load %arg7[%parallel_loop3A_189, %parallel_loop3A_190] {strides = array<i32>} : memref<32x512xi32, #tpu.memory_space<vmem>>, vector<16xi32>,
      %parallel_loop3A_192 = tpu.vector_load_idx %arg5[%parallel_loop3A_191] : memref<128xi32, #tpu.memory_space<vmem>>[vector<16xi32>], vector<16xi32>,
      %parallel_loop3A_193 = arith.index_cast %parallel_loop3A_186 : i32 to index
      %parallel_loop3A_194 = arith.index_cast %parallel_loop3A_188 : i32 to index
      %parallel_loop3A_195 = tpu.vector_load %arg10[%parallel_loop3A_193, %parallel_loop3A_194] {strides = array<i32>} : memref<32x512xi32, #tpu.memory_space<vmem>>, vector<16xi32>,
      tpu.vector_store %arg10[%parallel_loop3A_193, %parallel_loop3A_194], %parallel_loop3A_192 {strides = array<i32>} : memref<32x512xi32, #tpu.memory_space<vmem>>, vector<16xi32>,
    } {sc.loop_unroll_factor = 8 : i64, sc.parallel_access}
    %add3A_109 = arith.constant 128 : i32
    %add3A_110 = arith.addi %mul3A_2, %add3A_109 : i32
    %dma_start3A_111 = arith.constant 0 : i32
    %dma_start3A_112 = tpu.memref_slice %arg4[%add3A_110, %dma_start3A_111] : memref<8192x512xi32, #tpu.memory_space<hbm>> -> memref<32x512xi32, #tpu.memory_space<hbm>>
    %dma_start3A_113 = arith.constant 0 : i32
    %dma_start3A_114 = tpu.memref_slice %arg4[%add3A_110, %dma_start3A_113] : memref<8192x512xi32, #tpu.memory_space<hbm>> -> memref<32x512xi32, #tpu.memory_space<hbm>>
    tpu.enqueue_dma source(%arg10 : memref<32x512xi32, #tpu.memory_space<vmem>>) target(%dma_start3A_114 : memref<32x512xi32, #tpu.memory_space<hbm>>) target_semaphore(%arg16 : memref<!tpu.dma_semaphore, #tpu.memory_space<semaphore_mem>>)
    %add3A_115 = arith.constant 224 : i32
    %add3A_116 = arith.addi %mul3A_2, %add3A_115 : i32
    %dma_start3A_117 = arith.constant 0 : i32
    %dma_start3A_118 = tpu.memref_slice %arg2[%add3A_116, %dma_start3A_117] : memref<8192x512xi32, #tpu.memory_space<hbm>> -> memref<32x512xi32, #tpu.memory_space<hbm>>
    %dma_start3A_119 = arith.constant 0 : i32
    %dma_start3A_120 = tpu.memref_slice %arg2[%add3A_116, %dma_start3A_119] : memref<8192x512xi32, #tpu.memory_space<hbm>> -> memref<32x512xi32, #tpu.memory_space<hbm>>
    tpu.enqueue_dma source(%dma_start3A_120 : memref<32x512xi32, #tpu.memory_space<hbm>>) target(%arg7 : memref<32x512xi32, #tpu.memory_space<vmem>>) target_semaphore(%arg13 : memref<!tpu.dma_semaphore, #tpu.memory_space<semaphore_mem>>)
    %dma_wait3A_121 = arith.constant 0 : i32
    %dma_wait3A_122 = tpu.memref_slice %arg2[%add3A_70, %dma_wait3A_121] : memref<8192x512xi32, #tpu.memory_space<hbm>> -> memref<32x512xi32, #tpu.memory_space<hbm>>
    %dma_wait3A_123 = arith.constant 0 : i32
    %dma_wait3A_124 = tpu.memref_slice %arg2[%add3A_70, %dma_wait3A_123] : memref<8192x512xi32, #tpu.memory_space<hbm>> -> memref<32x512xi32, #tpu.memory_space<hbm>>
    tpu.wait_dma2 semaphore(%arg14 : memref<!tpu.dma_semaphore, #tpu.memory_space<semaphore_mem>>) src(%dma_wait3A_124 : memref<32x512xi32, #tpu.memory_space<hbm>>) dst(%arg8 : memref<32x512xi32, #tpu.memory_space<vmem>>)
    %dma_wait3A_125 = arith.constant 0 : i32
    %dma_wait3A_126 = tpu.memref_slice %arg4[%add3A_64, %dma_wait3A_125] : memref<8192x512xi32, #tpu.memory_space<hbm>> -> memref<32x512xi32, #tpu.memory_space<hbm>>
    %dma_wait3A_127 = arith.constant 0 : i32
    %dma_wait3A_128 = tpu.memref_slice %arg4[%add3A_64, %dma_wait3A_127] : memref<8192x512xi32, #tpu.memory_space<hbm>> -> memref<32x512xi32, #tpu.memory_space<hbm>>
    tpu.wait_dma2 semaphore(%arg17 : memref<!tpu.dma_semaphore, #tpu.memory_space<semaphore_mem>>) src(%arg11 : memref<32x512xi32, #tpu.memory_space<vmem>>) dst(%dma_wait3A_128 : memref<32x512xi32, #tpu.memory_space<hbm>>)
    %parallel_loop3A_129 = arith.constant 0 : i32
    %parallel_loop3A_130 = arith.constant 16384 : i32
    %parallel_loop3A_131 = arith.constant 16 : i32
    scf.for %parallel_loop3A_184 = %parallel_loop3A_129 to %parallel_loop3A_130 step %parallel_loop3A_131  : i32 {
      %parallel_loop3A_185 = arith.constant 9 : i32
      %parallel_loop3A_186 = arith.shrsi %parallel_loop3A_184, %parallel_loop3A_185 : i32
      %parallel_loop3A_187 = arith.constant 511 : i32
      %parallel_loop3A_188 = arith.andi %parallel_loop3A_184, %parallel_loop3A_187 : i32
      %parallel_loop3A_189 = arith.index_cast %parallel_loop3A_186 : i32 to index
      %parallel_loop3A_190 = arith.index_cast %parallel_loop3A_188 : i32 to index
      %parallel_loop3A_191 = tpu.vector_load %arg8[%parallel_loop3A_189, %parallel_loop3A_190] {strides = array<i32>} : memref<32x512xi32, #tpu.memory_space<vmem>>, vector<16xi32>,
      %parallel_loop3A_192 = tpu.vector_load_idx %arg5[%parallel_loop3A_191] : memref<128xi32, #tpu.memory_space<vmem>>[vector<16xi32>], vector<16xi32>,
      %parallel_loop3A_193 = arith.index_cast %parallel_loop3A_186 : i32 to index
      %parallel_loop3A_194 = arith.index_cast %parallel_loop3A_188 : i32 to index
      %parallel_loop3A_195 = tpu.vector_load %arg11[%parallel_loop3A_193, %parallel_loop3A_194] {strides = array<i32>} : memref<32x512xi32, #tpu.memory_space<vmem>>, vector<16xi32>,
      tpu.vector_store %arg11[%parallel_loop3A_193, %parallel_loop3A_194], %parallel_loop3A_192 {strides = array<i32>} : memref<32x512xi32, #tpu.memory_space<vmem>>, vector<16xi32>,
    } {sc.loop_unroll_factor = 8 : i64, sc.parallel_access}
    %add3A_132 = arith.constant 160 : i32
    %add3A_133 = arith.addi %mul3A_2, %add3A_132 : i32
    %dma_start3A_134 = arith.constant 0 : i32
    %dma_start3A_135 = tpu.memref_slice %arg4[%add3A_133, %dma_start3A_134] : memref<8192x512xi32, #tpu.memory_space<hbm>> -> memref<32x512xi32, #tpu.memory_space<hbm>>
    %dma_start3A_136 = arith.constant 0 : i32
    %dma_start3A_137 = tpu.memref_slice %arg4[%add3A_133, %dma_start3A_136] : memref<8192x512xi32, #tpu.memory_space<hbm>> -> memref<32x512xi32, #tpu.memory_space<hbm>>
    tpu.enqueue_dma source(%arg11 : memref<32x512xi32, #tpu.memory_space<vmem>>) target(%dma_start3A_137 : memref<32x512xi32, #tpu.memory_space<hbm>>) target_semaphore(%arg17 : memref<!tpu.dma_semaphore, #tpu.memory_space<semaphore_mem>>)
    %dma_wait3A_138 = arith.constant 0 : i32
    %dma_wait3A_139 = tpu.memref_slice %arg2[%add3A_93, %dma_wait3A_138] : memref<8192x512xi32, #tpu.memory_space<hbm>> -> memref<32x512xi32, #tpu.memory_space<hbm>>
    %dma_wait3A_140 = arith.constant 0 : i32
    %dma_wait3A_141 = tpu.memref_slice %arg2[%add3A_93, %dma_wait3A_140] : memref<8192x512xi32, #tpu.memory_space<hbm>> -> memref<32x512xi32, #tpu.memory_space<hbm>>
    tpu.wait_dma2 semaphore(%arg12 : memref<!tpu.dma_semaphore, #tpu.memory_space<semaphore_mem>>) src(%dma_wait3A_141 : memref<32x512xi32, #tpu.memory_space<hbm>>) dst(%arg6 : memref<32x512xi32, #tpu.memory_space<vmem>>)
    %dma_wait3A_142 = arith.constant 0 : i32
    %dma_wait3A_143 = tpu.memref_slice %arg4[%add3A_87, %dma_wait3A_142] : memref<8192x512xi32, #tpu.memory_space<hbm>> -> memref<32x512xi32, #tpu.memory_space<hbm>>
    %dma_wait3A_144 = arith.constant 0 : i32
    %dma_wait3A_145 = tpu.memref_slice %arg4[%add3A_87, %dma_wait3A_144] : memref<8192x512xi32, #tpu.memory_space<hbm>> -> memref<32x512xi32, #tpu.memory_space<hbm>>
    tpu.wait_dma2 semaphore(%arg15 : memref<!tpu.dma_semaphore, #tpu.memory_space<semaphore_mem>>) src(%arg9 : memref<32x512xi32, #tpu.memory_space<vmem>>) dst(%dma_wait3A_145 : memref<32x512xi32, #tpu.memory_space<hbm>>)
    %parallel_loop3A_146 = arith.constant 0 : i32
    %parallel_loop3A_147 = arith.constant 16384 : i32
    %parallel_loop3A_148 = arith.constant 16 : i32
    scf.for %parallel_loop3A_184 = %parallel_loop3A_146 to %parallel_loop3A_147 step %parallel_loop3A_148  : i32 {
      %parallel_loop3A_185 = arith.constant 9 : i32
      %parallel_loop3A_186 = arith.shrsi %parallel_loop3A_184, %parallel_loop3A_185 : i32
      %parallel_loop3A_187 = arith.constant 511 : i32
      %parallel_loop3A_188 = arith.andi %parallel_loop3A_184, %parallel_loop3A_187 : i32
      %parallel_loop3A_189 = arith.index_cast %parallel_loop3A_186 : i32 to index
      %parallel_loop3A_190 = arith.index_cast %parallel_loop3A_188 : i32 to index
      %parallel_loop3A_191 = tpu.vector_load %arg6[%parallel_loop3A_189, %parallel_loop3A_190] {strides = array<i32>} : memref<32x512xi32, #tpu.memory_space<vmem>>, vector<16xi32>,
      %parallel_loop3A_192 = tpu.vector_load_idx %arg5[%parallel_loop3A_191] : memref<128xi32, #tpu.memory_space<vmem>>[vector<16xi32>], vector<16xi32>,
      %parallel_loop3A_193 = arith.index_cast %parallel_loop3A_186 : i32 to index
      %parallel_loop3A_194 = arith.index_cast %parallel_loop3A_188 : i32 to index
      %parallel_loop3A_195 = tpu.vector_load %arg9[%parallel_loop3A_193, %parallel_loop3A_194] {strides = array<i32>} : memref<32x512xi32, #tpu.memory_space<vmem>>, vector<16xi32>,
      tpu.vector_store %arg9[%parallel_loop3A_193, %parallel_loop3A_194], %parallel_loop3A_192 {strides = array<i32>} : memref<32x512xi32, #tpu.memory_space<vmem>>, vector<16xi32>,
    } {sc.loop_unroll_factor = 8 : i64, sc.parallel_access}
    %add3A_149 = arith.constant 192 : i32
    %add3A_150 = arith.addi %mul3A_2, %add3A_149 : i32
    %dma_start3A_151 = arith.constant 0 : i32
    %dma_start3A_152 = tpu.memref_slice %arg4[%add3A_150, %dma_start3A_151] : memref<8192x512xi32, #tpu.memory_space<hbm>> -> memref<32x512xi32, #tpu.memory_space<hbm>>
    %dma_start3A_153 = arith.constant 0 : i32
    %dma_start3A_154 = tpu.memref_slice %arg4[%add3A_150, %dma_start3A_153] : memref<8192x512xi32, #tpu.memory_space<hbm>> -> memref<32x512xi32, #tpu.memory_space<hbm>>
    tpu.enqueue_dma source(%arg9 : memref<32x512xi32, #tpu.memory_space<vmem>>) target(%dma_start3A_154 : memref<32x512xi32, #tpu.memory_space<hbm>>) target_semaphore(%arg15 : memref<!tpu.dma_semaphore, #tpu.memory_space<semaphore_mem>>)
    %dma_wait3A_155 = arith.constant 0 : i32
    %dma_wait3A_156 = tpu.memref_slice %arg2[%add3A_116, %dma_wait3A_155] : memref<8192x512xi32, #tpu.memory_space<hbm>> -> memref<32x512xi32, #tpu.memory_space<hbm>>
    %dma_wait3A_157 = arith.constant 0 : i32
    %dma_wait3A_158 = tpu.memref_slice %arg2[%add3A_116, %dma_wait3A_157] : memref<8192x512xi32, #tpu.memory_space<hbm>> -> memref<32x512xi32, #tpu.memory_space<hbm>>
    tpu.wait_dma2 semaphore(%arg13 : memref<!tpu.dma_semaphore, #tpu.memory_space<semaphore_mem>>) src(%dma_wait3A_158 : memref<32x512xi32, #tpu.memory_space<hbm>>) dst(%arg7 : memref<32x512xi32, #tpu.memory_space<vmem>>)
    %dma_wait3A_159 = arith.constant 0 : i32
    %dma_wait3A_160 = tpu.memref_slice %arg4[%add3A_110, %dma_wait3A_159] : memref<8192x512xi32, #tpu.memory_space<hbm>> -> memref<32x512xi32, #tpu.memory_space<hbm>>
    %dma_wait3A_161 = arith.constant 0 : i32
    %dma_wait3A_162 = tpu.memref_slice %arg4[%add3A_110, %dma_wait3A_161] : memref<8192x512xi32, #tpu.memory_space<hbm>> -> memref<32x512xi32, #tpu.memory_space<hbm>>
    tpu.wait_dma2 semaphore(%arg16 : memref<!tpu.dma_semaphore, #tpu.memory_space<semaphore_mem>>) src(%arg10 : memref<32x512xi32, #tpu.memory_space<vmem>>) dst(%dma_wait3A_162 : memref<32x512xi32, #tpu.memory_space<hbm>>)
    %parallel_loop3A_163 = arith.constant 0 : i32
    %parallel_loop3A_164 = arith.constant 16384 : i32
    %parallel_loop3A_165 = arith.constant 16 : i32
    scf.for %parallel_loop3A_184 = %parallel_loop3A_163 to %parallel_loop3A_164 step %parallel_loop3A_165  : i32 {
      %parallel_loop3A_185 = arith.constant 9 : i32
      %parallel_loop3A_186 = arith.shrsi %parallel_loop3A_184, %parallel_loop3A_185 : i32
      %parallel_loop3A_187 = arith.constant 511 : i32
      %parallel_loop3A_188 = arith.andi %parallel_loop3A_184, %parallel_loop3A_187 : i32
      %parallel_loop3A_189 = arith.index_cast %parallel_loop3A_186 : i32 to index
      %parallel_loop3A_190 = arith.index_cast %parallel_loop3A_188 : i32 to index
      %parallel_loop3A_191 = tpu.vector_load %arg7[%parallel_loop3A_189, %parallel_loop3A_190] {strides = array<i32>} : memref<32x512xi32, #tpu.memory_space<vmem>>, vector<16xi32>,
      %parallel_loop3A_192 = tpu.vector_load_idx %arg5[%parallel_loop3A_191] : memref<128xi32, #tpu.memory_space<vmem>>[vector<16xi32>], vector<16xi32>,
      %parallel_loop3A_193 = arith.index_cast %parallel_loop3A_186 : i32 to index
      %parallel_loop3A_194 = arith.index_cast %parallel_loop3A_188 : i32 to index
      %parallel_loop3A_195 = tpu.vector_load %arg10[%parallel_loop3A_193, %parallel_loop3A_194] {strides = array<i32>} : memref<32x512xi32, #tpu.memory_space<vmem>>, vector<16xi32>,
      tpu.vector_store %arg10[%parallel_loop3A_193, %parallel_loop3A_194], %parallel_loop3A_192 {strides = array<i32>} : memref<32x512xi32, #tpu.memory_space<vmem>>, vector<16xi32>,
    } {sc.loop_unroll_factor = 8 : i64, sc.parallel_access}
    %add3A_166 = arith.constant 224 : i32
    %add3A_167 = arith.addi %mul3A_2, %add3A_166 : i32
    %dma_start3A_168 = arith.constant 0 : i32
    %dma_start3A_169 = tpu.memref_slice %arg4[%add3A_167, %dma_start3A_168] : memref<8192x512xi32, #tpu.memory_space<hbm>> -> memref<32x512xi32, #tpu.memory_space<hbm>>
    %dma_start3A_170 = arith.constant 0 : i32
    %dma_start3A_171 = tpu.memref_slice %arg4[%add3A_167, %dma_start3A_170] : memref<8192x512xi32, #tpu.memory_space<hbm>> -> memref<32x512xi32, #tpu.memory_space<hbm>>
    tpu.enqueue_dma source(%arg10 : memref<32x512xi32, #tpu.memory_space<vmem>>) target(%dma_start3A_171 : memref<32x512xi32, #tpu.memory_space<hbm>>) target_semaphore(%arg16 : memref<!tpu.dma_semaphore, #tpu.memory_space<semaphore_mem>>)
    %dma_wait3A_172 = arith.constant 0 : i32
    %dma_wait3A_173 = tpu.memref_slice %arg4[%add3A_133, %dma_wait3A_172] : memref<8192x512xi32, #tpu.memory_space<hbm>> -> memref<32x512xi32, #tpu.memory_space<hbm>>
    %dma_wait3A_174 = arith.constant 0 : i32
    %dma_wait3A_175 = tpu.memref_slice %arg4[%add3A_133, %dma_wait3A_174] : memref<8192x512xi32, #tpu.memory_space<hbm>> -> memref<32x512xi32, #tpu.memory_space<hbm>>
    tpu.wait_dma2 semaphore(%arg17 : memref<!tpu.dma_semaphore, #tpu.memory_space<semaphore_mem>>) src(%arg11 : memref<32x512xi32, #tpu.memory_space<vmem>>) dst(%dma_wait3A_175 : memref<32x512xi32, #tpu.memory_space<hbm>>)
    %dma_wait3A_176 = arith.constant 0 : i32
    %dma_wait3A_177 = tpu.memref_slice %arg4[%add3A_150, %dma_wait3A_176] : memref<8192x512xi32, #tpu.memory_space<hbm>> -> memref<32x512xi32, #tpu.memory_space<hbm>>
    %dma_wait3A_178 = arith.constant 0 : i32
    %dma_wait3A_179 = tpu.memref_slice %arg4[%add3A_150, %dma_wait3A_178] : memref<8192x512xi32, #tpu.memory_space<hbm>> -> memref<32x512xi32, #tpu.memory_space<hbm>>
    tpu.wait_dma2 semaphore(%arg15 : memref<!tpu.dma_semaphore, #tpu.memory_space<semaphore_mem>>) src(%arg9 : memref<32x512xi32, #tpu.memory_space<vmem>>) dst(%dma_wait3A_179 : memref<32x512xi32, #tpu.memory_space<hbm>>)
    %dma_wait3A_180 = arith.constant 0 : i32
    %dma_wait3A_181 = tpu.memref_slice %arg4[%add3A_167, %dma_wait3A_180] : memref<8192x512xi32, #tpu.memory_space<hbm>> -> memref<32x512xi32, #tpu.memory_space<hbm>>
    %dma_wait3A_182 = arith.constant 0 : i32
    %dma_wait3A_183 = tpu.memref_slice %arg4[%add3A_167, %dma_wait3A_182] : memref<8192x512xi32, #tpu.memory_space<hbm>> -> memref<32x512xi32, #tpu.memory_space<hbm>>
    tpu.wait_dma2 semaphore(%arg16 : memref<!tpu.dma_semaphore, #tpu.memory_space<semaphore_mem>>) src(%arg10 : memref<32x512xi32, #tpu.memory_space<vmem>>) dst(%dma_wait3A_183 : memref<32x512xi32, #tpu.memory_space<hbm>>)
    return
  }
}

</mosaic_0001>

<sc_bundles>
// kernel: kernel.3.cloned.1.call-start
scs
__scs_entry_jumppad:
0x0: {  	(pc) =	sbr.rel $0x88, $3  }
0x1: {  	(tag) =	ssettag $0x0;
	lr =	simm.s32 $0x1  }
0x2: {  	[smem:$0x3F9E] =	sst lr;
	_ =	strace $0xD0000000  }
0x3: {  	_ = 	snop  }
0x4: {  	_ = 	snop  }
0x5: {  	_ = 	snop  }
0x6: {  	_ = 	snop  }
0x7: {  	_ = 	snop  }
__scs_overlays_trampoline_lowered:
0x8: {  	[smem:$0x3FAD] =	sst s0  }
0x9: {  	[smem:$0x3FAE] =	sst s1  }
0xa: {  	[smem:$0x3FAF] =	sst s2  }
0xb: {  	[smem:$0x3FB0] =	sst s3  }
0xc: {  	[smem:$0x3FB1] =	sst s4  }
0xd: {  	[smem:$0x3FB2] =	sst s5  }
0xe: {  	[smem:$0x3FB3] =	sst s6  }
0xf: {  	[smem:$0x3FB4] =	sst s7  }
0x10: {  	[smem:$0x3FB5] =	sst s8  }
0x11: {  	[smem:$0x3FB6] =	sst s9;
	s0 =	simm.s32 @!p0 $0x0  }
0x12: {  	s1 =	sld [smem:$0x3F9C];
	s0 =	simm.s32 @p0 $0x1  }
0x13: {  	[smem:$0x3FB7] =	sst s0;
	s0 =	simm.s32 @!p1 $0x0  }
0x14: {  	s2 =	sld [smem:$0x3F9B];
	s0 =	simm.s32 @p1 $0x1  }
0x15: {  	[smem:$0x3FB8] =	sst s0;
	s0 =	simm.s32 @!p2 $0x0  }
0x16: {  	s3 =	sld [smem:$0x3FDB];
	s0 =	simm.s32 @p2 $0x1  }
0x17: {  	s4 =	simm.s32 $0x1BF5;
	[smem:$0x3FBA] =	sst s0  }
0x18: {  	s0 =	sld [smem:$0x3F9D];
	_ =	swait.ge [sflag:s4], $0x0  }
0x19: {  	s7 =	sld [smem:$0x3F9E]  }
0x1a: {  	s8 =	sadd.s32 $0xFFFFE003, lr  }
0x1b: {  	s9 =	sadd.s32 $0xFFFFFEF7, lr;
	s5 =	simm.s32 $0xFFFFFFFF;
	p2 =	slt.u32 s8, $0xFFFFF086  }
0x1c: {  	p1 =	slt.u32 s9, $0xF7A;
	s5 =	simm.s32 @!p2 $0x0  }
0x1d: {  	s5 =	simm.s32 @p1 $0x1;
	p0 =	seq.s32 s7, s2  }
0x1e: {  	s7 =	smul.u32 @!p0 $0xF7A, s2;
	p2 =	seq.s32 @!p0 s5, $0x0  }
0x1f: {  	s9 =	smul.u32 $0xF7A, s1;
	s8 =	simm.s32 @!p0 $0x1BF5;
	p2 =	por !p2, p0  }
0x20: {  	[sflag:s8] =	ssyncset.s32 @!p0 $0xFFFFF086;
	s6 =	sadd.s32 @!p0 s3, s7;
	s7 =	simm.s32 @!p0 $0x108  }
0x21: {  	s3 =	sadd.s32 s3, s9;
	s6 =	sadd.s32 @!p0 $0x88, s6;
	s7 =	simm.s32 @p2 $0x1082  }
0x22: {  	[simem:s7], [sflag:s8] =	dma.local @!p0 [hbm:s6], $0xF7A  }
0x23: {  	s9 =	sor.u32 $0xD0000000, s2;
	s6 =	simm.s32 $0x108;
	_ =	swait.ge @!p0 [sflag:s8], $0x0  }
0x24: {  	s3 =	sadd.s32 $0x88, s3;
	s6 =	simm.s32 @!p1 $0x1082;
	[sflag:s4] =	ssyncset.s32 $0xFFFFF086  }
0x25: {  	[simem:s6], [sflag:s4] =	dma.local [hbm:s3], $0xF7A  }
0x26: {  	[smem:$0x3F9E] =	sst s1;
	(tag) =	ssettag s2;
	_ =	strace s9  }
0x27: {  	s1 =	sld [smem:$0x3FAE]  }
0x28: {  	s2 =	sld [smem:$0x3FAF]  }
0x29: {  	s4 =	sld [smem:$0x3FB1]  }
0x2a: {  	p0 =	seq.s32 s5, $0x0;
	s5 =	sld [smem:$0x3FB2]  }
0x2b: {  	s6 =	sld [smem:$0x3FB3]  }
0x2c: {  	s7 =	sld [smem:$0x3FB4]  }
0x2d: {  	s3 =	simm.s32 $0x108;
	s8 =	sld [smem:$0x3FB5]  }
0x2e: {  	s3 =	simm.s32 @!p0 $0x1082;
	s9 =	sld [smem:$0x3FB6]  }
0x2f: {  	lr =	sadd.s32 s0, s3;
	s0 =	sld [smem:$0x3FAD]  }
0x30: {  	s3 =	sld [smem:$0x3FB0]  }
0x31: {  	[smem:$0x3FB9] =	sst s10  }
0x32: {  	s10 =	sld [smem:$0x3FB7];
	_ =	sdelay $0x3  }
0x33: {  	p0 =	seq.s32 s10, $0x1;
	s10 =	sld [smem:$0x3FB9];
	_ =	sdelay $0x3  }
0x34: {  	[smem:$0x3FB9] =	sst s10  }
0x35: {  	s10 =	sld [smem:$0x3FB8];
	_ =	sdelay $0x3  }
0x36: {  	p1 =	seq.s32 s10, $0x1;
	s10 =	sld [smem:$0x3FB9];
	_ =	sdelay $0x3  }
0x37: {  	[smem:$0x3FB9] =	sst s10  }
0x38: {  	s10 =	sld [smem:$0x3FBA]  }
0x39: {  	_ = 	snop;
	(pc) =	sbr.ind lr, $3  }
0x3a: {  	_ = 	snop  }
0x3b: {  	_ = 	snop  }
0x3c: {  	p2 =	seq.s32 s10, $0x1;
	s10 =	sld [smem:$0x3FB9]  }
0x3d: {  	_ =	shalt  }
0x3e: {  	_ =	shalt  }
0x3f: {  	_ =	shalt  }
0x40: {  	_ =	shalt  }
0x41: {  	_ =	shalt  }
0x42: {  	_ =	shalt  }
0x43: {  	_ =	shalt  }
0x44: {  	_ =	shalt  }
0x45: {  	_ =	shalt  }
0x46: {  	_ =	shalt  }
0x47: {  	_ =	shalt  }
0x48: {  	_ =	shalt  }
0x49: {  	_ =	shalt  }
0x4a: {  	_ =	shalt  }
0x4b: {  	_ =	shalt  }
0x4c: {  	_ =	shalt  }
0x4d: {  	_ =	shalt  }
0x4e: {  	_ =	shalt  }
0x4f: {  	_ =	shalt  }
0x50: {  	_ =	shalt  }
0x51: {  	_ =	shalt  }
0x52: {  	_ =	shalt  }
0x53: {  	_ =	shalt  }
0x54: {  	_ =	shalt  }
0x55: {  	_ =	shalt  }
0x56: {  	_ =	shalt  }
0x57: {  	_ =	shalt  }
0x58: {  	_ =	shalt  }
0x59: {  	_ =	shalt  }
0x5a: {  	_ =	shalt  }
0x5b: {  	_ =	shalt  }
0x5c: {  	_ =	shalt  }
0x5d: {  	_ =	shalt  }
0x5e: {  	_ =	shalt  }
0x5f: {  	_ =	shalt  }
0x60: {  	_ =	shalt  }
0x61: {  	_ =	shalt  }
0x62: {  	_ =	shalt  }
0x63: {  	_ =	shalt  }
0x64: {  	_ =	shalt  }
0x65: {  	_ =	shalt  }
0x66: {  	_ =	shalt  }
0x67: {  	_ =	shalt  }
0x68: {  	_ =	shalt  }
0x69: {  	_ =	shalt  }
0x6a: {  	_ =	shalt  }
0x6b: {  	_ =	shalt  }
0x6c: {  	_ =	shalt  }
0x6d: {  	_ =	shalt  }
0x6e: {  	_ =	shalt  }
0x6f: {  	_ =	shalt  }
0x70: {  	_ =	shalt  }
0x71: {  	_ =	shalt  }
0x72: {  	_ =	shalt  }
0x73: {  	_ =	shalt  }
0x74: {  	_ =	shalt  }
0x75: {  	_ =	shalt  }
0x76: {  	_ =	shalt  }
0x77: {  	_ =	shalt  }
0x78: {  	_ =	shalt  }
0x79: {  	_ =	shalt  }
0x7a: {  	_ =	shalt  }
0x7b: {  	_ =	shalt  }
0x7c: {  	_ =	shalt  }
0x7d: {  	_ =	shalt  }
0x7e: {  	_ =	shalt  }
0x7f: {  	_ =	shalt  }
0x80: {  	_ =	shalt  }
0x81: {  	_ =	shalt  }
0x82: {  	_ =	shalt  }
0x83: {  	_ =	shalt  }
0x84: {  	_ =	shalt  }
0x85: {  	_ =	shalt  }
0x86: {  	_ =	shalt  }
0x87: {  	_ =	shalt  }
.Lfunc_end0:
.L_simem_size_0:
called_computation_lowered:
.L_overlay_start_0:
0x88: {  	s2 =	sld [smem:$0x3FD9]  }
0x89: {  	s3 =	sld [smem:$0x3FFE];
	_ =	sdelay $0x1  }
0x8a: {  	s1 =	srdreg.scid  }
0x8b: {  	s0 =	sand.u32 $0x1, s1  }
0x8c: {  	s15 =	sshll.u32 s0, $0xA;
	s2 =	sadd.s32 s3, s2  }
0x8d: {  	s2 =	sadd.s32 s2, s15  }
0x8e: {  	[smem:$0x3FC5] =	sst s2  }
0x8f: {  	_ = 	snop  }
0x90: {  	s2 =	sld [smem:$0x3FD0];
	_ =	sdelay $0x1  }
0x91: {  	s16 =	sld [smem:$0x3FC9]  }
0x92: {  	s5 =	simm.s32 $0xA;
	s6 =	simm.s32 $0x10;
	s4 =	sld [smem:$0x3FC7]  }
0x93: {  	[smem:s6], [sflag:s5] =	dma.local [hbm:s2], $0x1  }
0x94: {  	_ =	swait.eq [sflag:s5], $0x1  }
0x95: {  	[sflag:s5] =	ssyncset.done $0x0  }
0x96: {  	[sflag:s5] =	ssyncadd.s32 $0xFFFFFFFF  }
0x97: {  	s17 =	sld [smem:$0x10];
	(tm) =	ssettm $0x1  }
0x98: {  	s18 =	sld [smem:$0x3FFB];
	_ =	sdelay $0x3  }
0x99: {  	_ =	strace s18  }
0x9a: {  	s5 =	sld [smem:$0x3FFC];
	_ =	sdelay $0x3  }
0x9b: {  	_ =	strace s5  }
0x9c: {  	s5 =	sld [smem:$0x3FFD];
	_ =	sdelay $0x3  }
0x9d: {  	_ =	strace s5  }
0x9e: {  	_ =	strace $0x8FFFFFFF  }
0x9f: {  	s19 =	sld [smem:$0x3FDB];
	_ =	sdelay $0x1  }
0xa0: {  	s20 =	simm.s32 $_scs_section_size  }
0xa1: {  	s7 =	simm.s32 $_size__tile_overlayer_lowered;
	s8 =	simm.s32 $_tile_overlayer_lowered  }
0xa2: {  	s23 =	simm.s32 $0x1BFF;
	s22 =	sshll.u32 s8, $0x1;
	s5 =	sadd.s32 s20, s19  }
0xa3: {  	s9 =	simm.s32 $0x0;
	s21 =	sshll.u32 s7, $0x1;
	s7 =	sadd.s32 s22, s5  }
0xa4: {  	[timem:s9], [sflag:s23] =	dma.local [hbm:s7], s21  }
0xa5: {  	_ =	swait.ge [sflag:s23], s21  }
0xa6: {  	s6 =	ssub.s32 $0x0, s21;
	[sflag:s23] =	ssyncset.done $0x0  }
0xa7: {  	[sflag:s23] =	ssyncadd.s32 s6;
	_ =	sdelay $0x1  }
0xa8: {  	s24 =	simm.s32 $0x1B8B  }
0xa9: {  	_ =	swait.ge [sflag:s24], $0x1  }
0xaa: {  	[sflag:s24] =	ssyncset.done $0x0  }
0xab: {  	s25 =	simm.s32 $0x1B8E;
	[sflag:s24] =	ssyncadd.s32 $0xFFFFFFFF  }
0xac: {  	s26 =	simm.s32 $execute0_lowered;
	[smem:$0x3FD2] =	sst s25  }
0xad: {  	s6 =	sshll.u32 s26, $0x1;
	_ =	strace $0x80000046;
	[dreg:$0x1] =	wrdreg $0xFFFFFFFF  }
0xae: {  	s28 =	simm.s32 $_size_execute0_lowered;
	s5 =	sadd.s32 s5, s6;
	[dreg:$0x0] =	wrdreg $0x0  }
0xaf: {  	s6 =	sshll.u32 s28, $0x1;
	[dreg:$0x2] =	wrdreg s5  }
0xb0: {  	[dreg:$0x3] =	wrdreg s6  }
0xb1: {  	[dreg:$0x4] =	wrdreg $0xC0  }
0xb2: {  	_ =	task [dreg:s9], $0x5FFFF  }
0xb3: {  	[dreg:$0x1] =	wrdreg $0xFFFFFFFF  }
0xb4: {  	[dreg:$0x0] =	wrdreg $0x60  }
0xb5: {  	[dreg:$0x2] =	wrdreg s16  }
0xb6: {  	[dreg:$0x3] =	wrdreg s4  }
0xb7: {  	[dreg:$0x4] =	wrdreg s17  }
0xb8: {  	[dreg:$0x5] =	wrdreg $0x9  }
0xb9: {  	_ =	task.clear_ibuf [dreg:s9], $0x6FFFF;
	_ =	strace $0x90000046  }
0xba: {  	s29 =	simm.s32 $0x9;
	_ =	strace $0x80000048  }
0xbb: {  	_ =	swait.ge [sflag:s29], $0x1  }
0xbc: {  	[sflag:s29] =	ssyncadd.s32 $0xFFFFFFFF  }
0xbd: {  	_ =	strace $0x90000048  }
0xbe: {  	_ =	sfence  }
0xbf: {  	s30 =	sld [smem:$0x0];
	_ =	sdelay $0x2  }
0xc0: {  	s31 =	sshll.u32 s1, $0xD;
	s1 =	sshrl.u32 s1, $0x2  }
0xc1: {  	s3 =	sand.u32 $0x4000, s31;
	s1 =	sadd.s32 s1, s30  }
0xc2: {  	s0 =	sor.u32 s3, s0;
	s1 =	sshll.u32 s1, $0x11  }
0xc3: {  	s0 =	sor.u32 s1, s0  }
0xc4: {  	s0 =	sadd.s32 $0x8F2B, s0  }
0xc5: {  	[sflag:s0] =	ssyncadd.remote.s32 $0x1  }
0xc6: {  	_ =	sfence.sel $0xFFFF  }
0xc7: {  	[dreg:$0x0] =	wrdreg $0xFFFFFFFF;
	(pc) =	sbr.abs _section_cstart, $3  }
0xc8: {  	[dreg:$0x1] =	wrdreg $0xFFFFFFFF  }
0xc9: {  	_ =	task.clear_ibuf [dreg:s9], $0x2FFFF;
	_ =	strace $0x9FFFFFFF  }
0xca: {  	(tm) =	ssettm $0x7FFFFFFF  }
0xcb: {  	_ =	shalt  }
tec
execute0_lowered:
.L_overlay_start_1:
0x0: {  	(tag) =	ssettag $0x1  }
0x1: {  	s0 =	rddreg [dreg:$0x0]  }
0x2: {  	s1 =	rddreg [dreg:$0x2]  }
0x3: {  	s3 =	simm.s32 $0x0;
	s2 =	srdreg.scid;
	s5 =	stileid.u32  }
0x4: {  	s28 =	simm.s32 $0x2;
	s29 =	simm.s32 $0x10080;
	s30 =	simm.s32 $0x3  }
0x5: {  	s31 =	simm.s32 $0x14080;
	[smem:$0x7FF] =	sst s3;
	s2 =	sand.u32 $0x1, s2  }
0x6: {  	s5 =	sshll.u32 s5, $0xF;
	s4 =	ssub.s32 $0x2, s2;
	s2 =	sshll.u32 s2, $0xE  }
0x7: {  	_ =	strace $0x80000047;
	s6 =	sshrl.u32 s4, $0x1;
	s2 =	sor.u32 s2, s5  }
0x8: {  	s4 =	ssub.s32 s4, s6;
	s5 =	sadd.s32 s0, s2;
	s19 =	sor.u32 $0x800, s2  }
0x9: {  	s21 =	sor.u32 $0x1000, s2;
	s7 =	sor.u32 $0x1800, s2;
	s22 =	sadd.s32 s1, s2  }
0xa: {  	s24 =	sor.u32 $0x2000, s2;
	s25 =	sor.u32 $0x2800, s2;
	s26 =	sor.u32 $0x3000, s2  }
0xb: {  	s2 =	sor.u32 $0x3800, s2;
	[dreg:$0x4] =	wrdreg s5;
	s20 =	sadd.s32 s0, s19  }
0xc: {  	s8 =	sadd.s32 s0, s21;
	[dreg:$0x7] =	wrdreg s22;
	s23 =	sadd.s32 s0, s7  }
0xd: {  	s5 =	sadd.s32 s1, s19;
	s9 =	sadd.s32 s0, s24;
	s11 =	sadd.s32 s1, s21  }
0xe: {  	s12 =	sadd.s32 s0, s25;
	s13 =	sadd.s32 s1, s7;
	s14 =	sadd.s32 s0, s26  }
0xf: {  	s15 =	sadd.s32 s1, s24;
	s16 =	sadd.s32 s0, s2;
	s17 =	sadd.s32 s1, s25  }
0x10: {  	s18 =	sadd.s32 s1, s26;
	s19 =	sadd.s32 s1, s2;
	[dreg:$0x5] =	wrdreg s20  }
0x11: {  	s21 =	simm.s32 $0x80;
	s22 =	simm.s32 $0x4080;
	[dreg:$0x6] =	wrdreg s8  }
0x12: {  	s24 =	simm.s32 $0x8080;
	s25 =	simm.s32 $0x1;
	[dreg:$0x8] =	wrdreg s23  }
0x13: {  	s26 =	simm.s32 $0xC080;
	s0 =	simm.s32 $0x4;
	[dreg:$0x9] =	wrdreg s5  }
0x14: {  	s2 =	simm.s32 $0x5;
	s1 =	simm.s32 $0x6;
	[dreg:$0xa] =	wrdreg s9  }
0x15: {  	s20 =	smax.u32 s4, $0x1;
	s23 =	simm.s32 $0x7;
	s4 =	simm.s32 $0x0  }
.LBB2_1:
0x16: {  	s5 =	rddreg [dreg:$0x4]  }
0x17: {  	[tilespmem:s21], [sflag:$0x1] =	stream.linear.gather [hbm4b:s5+s3], $0x4000, $0x38;
	[tilespmem:$0x18080] =	vst v63  }
0x18: {  	s6 =	rddreg [dreg:$0x5]  }
0x19: {  	[tilespmem:s22], [sflag:$0x2] =	stream.linear.gather [hbm4b:s6+s3], $0x4000, $0x38;
	[tilespmem:$0x18080] =	vst v63  }
0x1a: {  	s7 =	rddreg [dreg:$0x1]  }
0x1b: {  	[tilespmem:s3], [sflag:$0x7] =	stream.linear.gather [hbm4b:s7+s3], $0x78, $0x38;
	[tilespmem:$0x18080] =	vst v63  }
0x1c: {  	_ =	swait.ge [sflag:s23], $0x78  }
0x1d: {  	[sflag:s23] =	ssyncset.done $0x0  }
0x1e: {  	s6 =	simm.s32 $0x0;
	s8 =	rddreg [dreg:$0x6];
	[sflag:s23] =	ssyncadd.s32 $0xFFFFFF88  }
0x1f: {  	[tilespmem:s24], [sflag:$0x3] =	stream.linear.gather [hbm4b:s8+s3], $0x4000, $0x38;
	[tilespmem:$0x18080] =	vst v63  }
0x20: {  	s9 =	sand.u32 $0x3000, s6;
	s7 =	sand.u32 $0xC00, s3;
	_ =	swait.ge [sflag:s25], $0x4000  }
0x21: {  	s10 =	sand.u32 $0x380, s3;
	s5 =	sor.u32 s9, s7;
	[sflag:s25] =	ssyncset.done $0x0  }
0x22: {  	s5 =	sor.u32 s10, s5;
	[sflag:s25] =	ssyncadd.s32 $0xFFFFC000  }
0x23: {  	v2 =	vld [tilespmem:s5+$0xF0]  }
0x24: {  	v3 =	vld [tilespmem:s5+$0x80]  }
0x25: {  	v8 =	vld [tilespmem:s5+$0x90]  }
0x26: {  	v9 =	vld [tilespmem:s5+$0xA0]  }
0x27: {  	v6 =	vld [tilespmem:s5+$0xB0]  }
0x28: {  	v4 =	vld [tilespmem:s5+$0xC0]  }
0x29: {  	v1 =	vld [tilespmem:s5+$0xD0]  }
0x2a: {  	v0 =	vld [tilespmem:s5+$0xE0]  }
0x2b: {  	v7 =	vld.idx.msk [tilespmem:v2+s3+$0x0], $0xffff  }
0x2c: {  	v5 =	vld.idx.msk [tilespmem:v3+s3+$0x0], $0xffff  }
0x2d: {  	v3 =	vld.idx.msk [tilespmem:v8+s3+$0x0], $0xffff  }
0x2e: {  	s7 =	simm.s32 $0x0;
	s8 =	simm.s32 $0x0;
	v2 =	vld.idx.msk [tilespmem:v9+s3+$0x0], $0xffff  }
.LBB2_2:
0x2f: {  	s6 =	sadd.s32 $0x80, s6;
	v6 =	vld.idx.msk [tilespmem:v6+s3+$0x0], $0xffff;
	s7 =	sadd.s32 $0x400, s7  }
0x30: {  	s8 =	sadd.s32 $0x20, s8;
	s9 =	sand.u32 $0x3000, s6;
	s10 =	sand.u32 $0xC00, s7;
	v4 =	vld.idx.msk [tilespmem:v4+s3+$0x0], $0xffff  }
0x31: {  	p0 =	slt.u32 s6, $0x3F80;
	s9 =	sor.u32 s9, s10;
	s10 =	sand.u32 $0x380, s8;
	v1 =	vld.idx.msk [tilespmem:v1+s3+$0x0], $0xffff;
	[tilespmem:s5+$0xC0F0] =	vst v7  }
0x32: {  	s9 =	sor.u32 s10, s9;
	[tilespmem:s5+$0xC080] =	vst v5;
	v0 =	vld.idx.msk [tilespmem:v0+s3+$0x0], $0xffff  }
0x33: {  	v5 =	vld [tilespmem:s9+$0xF0];
	[tilespmem:s5+$0xC090] =	vst v3  }
0x34: {  	v3 =	vld [tilespmem:s9+$0x80];
	[tilespmem:s5+$0xC0A0] =	vst v2  }
0x35: {  	v2 =	vld [tilespmem:s9+$0x90];
	[tilespmem:s5+$0xC0B0] =	vst v6  }
0x36: {  	v8 =	vld [tilespmem:s9+$0xA0];
	[tilespmem:s5+$0xC0C0] =	vst v4  }
0x37: {  	v6 =	vld [tilespmem:s9+$0xB0];
	[tilespmem:s5+$0xC0D0] =	vst v1  }
0x38: {  	v4 =	vld [tilespmem:s9+$0xC0];
	[tilespmem:s5+$0xC0E0] =	vst v0;
	s5 =	smov.u32 s9  }
0x39: {  	v1 =	vld [tilespmem:s5+$0xD0]  }
.Ltmp0:
0x3a: {  	v0 =	vld [tilespmem:s5+$0xE0];
	(pc) =	sbr.rel @p0 .LBB2_2-.Ltmp0, $4  }
0x3b: {  	v7 =	vld.idx.msk [tilespmem:v5+s3+$0x0], $0xffff  }
0x3c: {  	v5 =	vld.idx.msk [tilespmem:v3+s3+$0x0], $0xffff  }
0x3d: {  	v3 =	vld.idx.msk [tilespmem:v2+s3+$0x0], $0xffff  }
0x3e: {  	v2 =	vld.idx.msk [tilespmem:v8+s3+$0x0], $0xffff  }
0x3f: {  	_ =	sdelay $0x3  }
0x40: {  	v6 =	vld.idx.msk [tilespmem:v6+s3+$0x0], $0xffff  }
0x41: {  	v4 =	vld.idx.msk [tilespmem:v4+s3+$0x0], $0xffff;
	[tilespmem:s5+$0xC0F0] =	vst v7  }
0x42: {  	v1 =	vld.idx.msk [tilespmem:v1+s3+$0x0], $0xffff;
	[tilespmem:s5+$0xC080] =	vst v5  }
0x43: {  	v0 =	vld.idx.msk [tilespmem:v0+s3+$0x0], $0xffff;
	[tilespmem:s5+$0xC090] =	vst v3  }
0x44: {  	[tilespmem:s5+$0xC0A0] =	vst v2  }
0x45: {  	[tilespmem:s5+$0xC0B0] =	vst v6  }
0x46: {  	[tilespmem:s5+$0xC0C0] =	vst v4  }
0x47: {  	[tilespmem:s5+$0xC0D0] =	vst v1  }
0x48: {  	[tilespmem:s5+$0xC0E0] =	vst v0  }
0x49: {  	s6 =	simm.s32 $0x0;
	s5 =	rddreg [dreg:$0x7]  }
0x4a: {  	[hbm4b:s5+s6] =	stream.linear.scatter [tilespmem:s26], [sflag:$0x4], $0x4000, $0x38;
	[tilespmem:$0x18080] =	vst v63  }
0x4b: {  	s7 =	simm.s32 $0x0;
	s8 =	rddreg [dreg:$0x8]  }
0x4c: {  	[tilespmem:s21], [sflag:$0x1] =	stream.linear.gather [hbm4b:s8+s6], $0x4000, $0x38;
	[tilespmem:$0x18080] =	vst v63  }
0x4d: {  	s9 =	sand.u32 $0x3000, s7;
	s8 =	sand.u32 $0xC00, s6;
	_ =	swait.ge [sflag:s28], $0x4000  }
0x4e: {  	s10 =	sand.u32 $0x380, s6;
	s5 =	sor.u32 s9, s8;
	[sflag:s28] =	ssyncset.done $0x0  }
0x4f: {  	s5 =	sor.u32 s10, s5;
	[sflag:s28] =	ssyncadd.s32 $0xFFFFC000  }
0x50: {  	v2 =	vld [tilespmem:s5+$0x40F0]  }
0x51: {  	v3 =	vld [tilespmem:s5+$0x4080]  }
0x52: {  	v8 =	vld [tilespmem:s5+$0x4090]  }
0x53: {  	v9 =	vld [tilespmem:s5+$0x40A0]  }
0x54: {  	v6 =	vld [tilespmem:s5+$0x40B0]  }
0x55: {  	v4 =	vld [tilespmem:s5+$0x40C0]  }
0x56: {  	v1 =	vld [tilespmem:s5+$0x40D0]  }
0x57: {  	v0 =	vld [tilespmem:s5+$0x40E0]  }
0x58: {  	v7 =	vld.idx.msk [tilespmem:v2+s3+$0x0], $0xffff  }
0x59: {  	v5 =	vld.idx.msk [tilespmem:v3+s3+$0x0], $0xffff  }
0x5a: {  	v3 =	vld.idx.msk [tilespmem:v8+s3+$0x0], $0xffff  }
0x5b: {  	s8 =	simm.s32 $0x0;
	v2 =	vld.idx.msk [tilespmem:v9+s3+$0x0], $0xffff  }
.LBB2_4:
0x5c: {  	s7 =	sadd.s32 $0x80, s7;
	v6 =	vld.idx.msk [tilespmem:v6+s3+$0x0], $0xffff;
	s6 =	sadd.s32 $0x400, s6  }
0x5d: {  	s8 =	sadd.s32 $0x20, s8;
	s9 =	sand.u32 $0x3000, s7;
	s10 =	sand.u32 $0xC00, s6;
	v4 =	vld.idx.msk [tilespmem:v4+s3+$0x0], $0xffff  }
0x5e: {  	p0 =	slt.u32 s7, $0x3F80;
	s9 =	sor.u32 s9, s10;
	s10 =	sand.u32 $0x380, s8;
	v1 =	vld.idx.msk [tilespmem:v1+s3+$0x0], $0xffff;
	[tilespmem:s5+$0x100F0] =	vst v7  }
0x5f: {  	s9 =	sor.u32 s10, s9;
	[tilespmem:s5+$0x10080] =	vst v5;
	v0 =	vld.idx.msk [tilespmem:v0+s3+$0x0], $0xffff  }
0x60: {  	v5 =	vld [tilespmem:s9+$0x40F0];
	[tilespmem:s5+$0x10090] =	vst v3  }
0x61: {  	v3 =	vld [tilespmem:s9+$0x4080];
	[tilespmem:s5+$0x100A0] =	vst v2  }
0x62: {  	v2 =	vld [tilespmem:s9+$0x4090];
	[tilespmem:s5+$0x100B0] =	vst v6  }
0x63: {  	v8 =	vld [tilespmem:s9+$0x40A0];
	[tilespmem:s5+$0x100C0] =	vst v4  }
0x64: {  	v6 =	vld [tilespmem:s9+$0x40B0];
	[tilespmem:s5+$0x100D0] =	vst v1  }
0x65: {  	v4 =	vld [tilespmem:s9+$0x40C0];
	[tilespmem:s5+$0x100E0] =	vst v0;
	s5 =	smov.u32 s9  }
0x66: {  	v1 =	vld [tilespmem:s5+$0x40D0]  }
.Ltmp1:
0x67: {  	v0 =	vld [tilespmem:s5+$0x40E0];
	(pc) =	sbr.rel @p0 .LBB2_4-.Ltmp1, $4  }
0x68: {  	v7 =	vld.idx.msk [tilespmem:v5+s3+$0x0], $0xffff  }
0x69: {  	v5 =	vld.idx.msk [tilespmem:v3+s3+$0x0], $0xffff  }
0x6a: {  	v3 =	vld.idx.msk [tilespmem:v2+s3+$0x0], $0xffff  }
0x6b: {  	v2 =	vld.idx.msk [tilespmem:v8+s3+$0x0], $0xffff  }
0x6c: {  	_ =	sdelay $0x3  }
0x6d: {  	v6 =	vld.idx.msk [tilespmem:v6+s3+$0x0], $0xffff  }
0x6e: {  	v4 =	vld.idx.msk [tilespmem:v4+s3+$0x0], $0xffff;
	[tilespmem:s5+$0x100F0] =	vst v7  }
0x6f: {  	v1 =	vld.idx.msk [tilespmem:v1+s3+$0x0], $0xffff;
	[tilespmem:s5+$0x10080] =	vst v5  }
0x70: {  	v0 =	vld.idx.msk [tilespmem:v0+s3+$0x0], $0xffff;
	[tilespmem:s5+$0x10090] =	vst v3  }
0x71: {  	[tilespmem:s5+$0x100A0] =	vst v2  }
0x72: {  	[tilespmem:s5+$0x100B0] =	vst v6  }
0x73: {  	[tilespmem:s5+$0x100C0] =	vst v4  }
0x74: {  	[tilespmem:s5+$0x100D0] =	vst v1  }
0x75: {  	[tilespmem:s5+$0x100E0] =	vst v0  }
0x76: {  	s6 =	simm.s32 $0x0;
	s5 =	rddreg [dreg:$0x9]  }
0x77: {  	[hbm4b:s5+s6] =	stream.linear.scatter [tilespmem:s29], [sflag:$0x5], $0x4000, $0x38;
	[tilespmem:$0x18080] =	vst v63  }
0x78: {  	s7 =	simm.s32 $0x0;
	s8 =	rddreg [dreg:$0xa]  }
0x79: {  	[tilespmem:s22], [sflag:$0x2] =	stream.linear.gather [hbm4b:s8+s6], $0x4000, $0x38;
	[tilespmem:$0x18080] =	vst v63  }
0x7a: {  	s9 =	sand.u32 $0x3000, s7;
	s8 =	sand.u32 $0xC00, s6;
	_ =	swait.ge [sflag:s30], $0x4000  }
0x7b: {  	s10 =	sand.u32 $0x380, s6;
	s5 =	sor.u32 s9, s8;
	[sflag:s30] =	ssyncset.done $0x0  }
0x7c: {  	s5 =	sor.u32 s10, s5;
	[sflag:s30] =	ssyncadd.s32 $0xFFFFC000  }
0x7d: {  	v2 =	vld [tilespmem:s5+$0x80F0]  }
0x7e: {  	v3 =	vld [tilespmem:s5+$0x8080]  }
0x7f: {  	v8 =	vld [tilespmem:s5+$0x8090]  }
0x80: {  	v9 =	vld [tilespmem:s5+$0x80A0]  }
0x81: {  	v6 =	vld [tilespmem:s5+$0x80B0]  }
0x82: {  	v4 =	vld [tilespmem:s5+$0x80C0]  }
0x83: {  	v1 =	vld [tilespmem:s5+$0x80D0]  }
0x84: {  	v0 =	vld [tilespmem:s5+$0x80E0]  }
0x85: {  	v7 =	vld.idx.msk [tilespmem:v2+s3+$0x0], $0xffff  }
0x86: {  	v5 =	vld.idx.msk [tilespmem:v3+s3+$0x0], $0xffff  }
0x87: {  	v3 =	vld.idx.msk [tilespmem:v8+s3+$0x0], $0xffff  }
0x88: {  	s8 =	simm.s32 $0x0;
	v2 =	vld.idx.msk [tilespmem:v9+s3+$0x0], $0xffff  }
.LBB2_6:
0x89: {  	s7 =	sadd.s32 $0x80, s7;
	v6 =	vld.idx.msk [tilespmem:v6+s3+$0x0], $0xffff;
	s6 =	sadd.s32 $0x400, s6  }
0x8a: {  	s8 =	sadd.s32 $0x20, s8;
	s9 =	sand.u32 $0x3000, s7;
	s10 =	sand.u32 $0xC00, s6;
	v4 =	vld.idx.msk [tilespmem:v4+s3+$0x0], $0xffff  }
0x8b: {  	p0 =	slt.u32 s7, $0x3F80;
	s9 =	sor.u32 s9, s10;
	s10 =	sand.u32 $0x380, s8;
	v1 =	vld.idx.msk [tilespmem:v1+s3+$0x0], $0xffff;
	[tilespmem:s5+$0x140F0] =	vst v7  }
0x8c: {  	s9 =	sor.u32 s10, s9;
	[tilespmem:s5+$0x14080] =	vst v5;
	v0 =	vld.idx.msk [tilespmem:v0+s3+$0x0], $0xffff  }
0x8d: {  	v5 =	vld [tilespmem:s9+$0x80F0];
	[tilespmem:s5+$0x14090] =	vst v3  }
0x8e: {  	v3 =	vld [tilespmem:s9+$0x8080];
	[tilespmem:s5+$0x140A0] =	vst v2  }
0x8f: {  	v2 =	vld [tilespmem:s9+$0x8090];
	[tilespmem:s5+$0x140B0] =	vst v6  }
0x90: {  	v8 =	vld [tilespmem:s9+$0x80A0];
	[tilespmem:s5+$0x140C0] =	vst v4  }
0x91: {  	v6 =	vld [tilespmem:s9+$0x80B0];
	[tilespmem:s5+$0x140D0] =	vst v1  }
0x92: {  	v4 =	vld [tilespmem:s9+$0x80C0];
	[tilespmem:s5+$0x140E0] =	vst v0;
	s5 =	smov.u32 s9  }
0x93: {  	v1 =	vld [tilespmem:s5+$0x80D0]  }
.Ltmp2:
0x94: {  	v0 =	vld [tilespmem:s5+$0x80E0];
	(pc) =	sbr.rel @p0 .LBB2_6-.Ltmp2, $4  }
0x95: {  	v7 =	vld.idx.msk [tilespmem:v5+s3+$0x0], $0xffff  }
0x96: {  	v5 =	vld.idx.msk [tilespmem:v3+s3+$0x0], $0xffff  }
0x97: {  	v3 =	vld.idx.msk [tilespmem:v2+s3+$0x0], $0xffff  }
0x98: {  	v2 =	vld.idx.msk [tilespmem:v8+s3+$0x0], $0xffff  }
0x99: {  	_ =	sdelay $0x3  }
0x9a: {  	v6 =	vld.idx.msk [tilespmem:v6+s3+$0x0], $0xffff  }
0x9b: {  	v4 =	vld.idx.msk [tilespmem:v4+s3+$0x0], $0xffff;
	[tilespmem:s5+$0x140F0] =	vst v7  }
0x9c: {  	v1 =	vld.idx.msk [tilespmem:v1+s3+$0x0], $0xffff;
	[tilespmem:s5+$0x14080] =	vst v5  }
0x9d: {  	v0 =	vld.idx.msk [tilespmem:v0+s3+$0x0], $0xffff;
	[tilespmem:s5+$0x14090] =	vst v3  }
0x9e: {  	[tilespmem:s5+$0x140A0] =	vst v2  }
0x9f: {  	[tilespmem:s5+$0x140B0] =	vst v6  }
0xa0: {  	[tilespmem:s5+$0x140C0] =	vst v4  }
0xa1: {  	[tilespmem:s5+$0x140D0] =	vst v1  }
0xa2: {  	[tilespmem:s5+$0x140E0] =	vst v0;
	s5 =	simm.s32 $0x0  }
0xa3: {  	[hbm4b:s11+s5] =	stream.linear.scatter [tilespmem:s31], [sflag:$0x6], $0x4000, $0x38;
	[tilespmem:$0x18080] =	vst v63  }
0xa4: {  	_ = 	snop  }
0xa5: {  	[tilespmem:s24], [sflag:$0x3] =	stream.linear.gather [hbm4b:s12+s5], $0x4000, $0x38;
	[tilespmem:$0x18080] =	vst v63  }
0xa6: {  	_ =	swait.ge [sflag:s25], $0x4000  }
0xa7: {  	[sflag:s25] =	ssyncset.done $0x0  }
0xa8: {  	s7 =	simm.s32 $0x0;
	[sflag:s25] =	ssyncadd.s32 $0xFFFFC000  }
0xa9: {  	s6 =	sand.u32 $0x3000, s7;
	s8 =	sand.u32 $0xC00, s5;
	_ =	swait.ge [sflag:s0], $0x4000  }
0xaa: {  	s10 =	sand.u32 $0x380, s5;
	s6 =	sor.u32 s6, s8;
	[sflag:s0] =	ssyncset.done $0x0  }
0xab: {  	s6 =	sor.u32 s10, s6;
	[sflag:s0] =	ssyncadd.s32 $0xFFFFC000  }
0xac: {  	v2 =	vld [tilespmem:s6+$0xF0]  }
0xad: {  	v3 =	vld [tilespmem:s6+$0x80]  }
0xae: {  	v8 =	vld [tilespmem:s6+$0x90]  }
0xaf: {  	v9 =	vld [tilespmem:s6+$0xA0]  }
0xb0: {  	v6 =	vld [tilespmem:s6+$0xB0]  }
0xb1: {  	v4 =	vld [tilespmem:s6+$0xC0]  }
0xb2: {  	v1 =	vld [tilespmem:s6+$0xD0]  }
0xb3: {  	v0 =	vld [tilespmem:s6+$0xE0]  }
0xb4: {  	v7 =	vld.idx.msk [tilespmem:v2+s3+$0x0], $0xffff  }
0xb5: {  	v5 =	vld.idx.msk [tilespmem:v3+s3+$0x0], $0xffff  }
0xb6: {  	v3 =	vld.idx.msk [tilespmem:v8+s3+$0x0], $0xffff  }
0xb7: {  	s8 =	simm.s32 $0x0;
	v2 =	vld.idx.msk [tilespmem:v9+s3+$0x0], $0xffff  }
.LBB2_8:
0xb8: {  	s7 =	sadd.s32 $0x80, s7;
	v6 =	vld.idx.msk [tilespmem:v6+s3+$0x0], $0xffff;
	s5 =	sadd.s32 $0x400, s5  }
0xb9: {  	s8 =	sadd.s32 $0x20, s8;
	s9 =	sand.u32 $0x3000, s7;
	s10 =	sand.u32 $0xC00, s5;
	v4 =	vld.idx.msk [tilespmem:v4+s3+$0x0], $0xffff  }
0xba: {  	p0 =	slt.u32 s7, $0x3F80;
	s9 =	sor.u32 s9, s10;
	s10 =	sand.u32 $0x380, s8;
	v1 =	vld.idx.msk [tilespmem:v1+s3+$0x0], $0xffff;
	[tilespmem:s6+$0xC0F0] =	vst v7  }
0xbb: {  	s9 =	sor.u32 s10, s9;
	[tilespmem:s6+$0xC080] =	vst v5;
	v0 =	vld.idx.msk [tilespmem:v0+s3+$0x0], $0xffff  }
0xbc: {  	v5 =	vld [tilespmem:s9+$0xF0];
	[tilespmem:s6+$0xC090] =	vst v3  }
0xbd: {  	v3 =	vld [tilespmem:s9+$0x80];
	[tilespmem:s6+$0xC0A0] =	vst v2  }
0xbe: {  	v2 =	vld [tilespmem:s9+$0x90];
	[tilespmem:s6+$0xC0B0] =	vst v6  }
0xbf: {  	v8 =	vld [tilespmem:s9+$0xA0];
	[tilespmem:s6+$0xC0C0] =	vst v4  }
0xc0: {  	v6 =	vld [tilespmem:s9+$0xB0];
	[tilespmem:s6+$0xC0D0] =	vst v1  }
0xc1: {  	v4 =	vld [tilespmem:s9+$0xC0];
	[tilespmem:s6+$0xC0E0] =	vst v0;
	s6 =	smov.u32 s9  }
0xc2: {  	v1 =	vld [tilespmem:s6+$0xD0]  }
.Ltmp3:
0xc3: {  	v0 =	vld [tilespmem:s6+$0xE0];
	(pc) =	sbr.rel @p0 .LBB2_8-.Ltmp3, $4  }
0xc4: {  	v7 =	vld.idx.msk [tilespmem:v5+s3+$0x0], $0xffff  }
0xc5: {  	v5 =	vld.idx.msk [tilespmem:v3+s3+$0x0], $0xffff  }
0xc6: {  	v3 =	vld.idx.msk [tilespmem:v2+s3+$0x0], $0xffff  }
0xc7: {  	v2 =	vld.idx.msk [tilespmem:v8+s3+$0x0], $0xffff  }
0xc8: {  	_ =	sdelay $0x3  }
0xc9: {  	v6 =	vld.idx.msk [tilespmem:v6+s3+$0x0], $0xffff  }
0xca: {  	v4 =	vld.idx.msk [tilespmem:v4+s3+$0x0], $0xffff;
	[tilespmem:s6+$0xC0F0] =	vst v7  }
0xcb: {  	v1 =	vld.idx.msk [tilespmem:v1+s3+$0x0], $0xffff;
	[tilespmem:s6+$0xC080] =	vst v5  }
0xcc: {  	v0 =	vld.idx.msk [tilespmem:v0+s3+$0x0], $0xffff;
	[tilespmem:s6+$0xC090] =	vst v3  }
0xcd: {  	[tilespmem:s6+$0xC0A0] =	vst v2  }
0xce: {  	[tilespmem:s6+$0xC0B0] =	vst v6  }
0xcf: {  	[tilespmem:s6+$0xC0C0] =	vst v4  }
0xd0: {  	[tilespmem:s6+$0xC0D0] =	vst v1  }
0xd1: {  	s5 =	simm.s32 $0x0;
	[tilespmem:s6+$0xC0E0] =	vst v0  }
0xd2: {  	[hbm4b:s13+s5] =	stream.linear.scatter [tilespmem:s26], [sflag:$0x4], $0x4000, $0x38;
	[tilespmem:$0x18080] =	vst v63  }
0xd3: {  	_ = 	snop  }
0xd4: {  	[tilespmem:s21], [sflag:$0x1] =	stream.linear.gather [hbm4b:s14+s5], $0x4000, $0x38;
	[tilespmem:$0x18080] =	vst v63  }
0xd5: {  	_ =	swait.ge [sflag:s28], $0x4000  }
0xd6: {  	[sflag:s28] =	ssyncset.done $0x0  }
0xd7: {  	s7 =	simm.s32 $0x0;
	[sflag:s28] =	ssyncadd.s32 $0xFFFFC000  }
0xd8: {  	s9 =	sand.u32 $0x3000, s7;
	s8 =	sand.u32 $0xC00, s5;
	_ =	swait.ge [sflag:s2], $0x4000  }
0xd9: {  	s10 =	sand.u32 $0x380, s5;
	s6 =	sor.u32 s9, s8;
	[sflag:s2] =	ssyncset.done $0x0  }
0xda: {  	s6 =	sor.u32 s10, s6;
	[sflag:s2] =	ssyncadd.s32 $0xFFFFC000  }
0xdb: {  	v2 =	vld [tilespmem:s6+$0x40F0]  }
0xdc: {  	v3 =	vld [tilespmem:s6+$0x4080]  }
0xdd: {  	v8 =	vld [tilespmem:s6+$0x4090]  }
0xde: {  	v9 =	vld [tilespmem:s6+$0x40A0]  }
0xdf: {  	v6 =	vld [tilespmem:s6+$0x40B0]  }
0xe0: {  	v4 =	vld [tilespmem:s6+$0x40C0]  }
0xe1: {  	v1 =	vld [tilespmem:s6+$0x40D0]  }
0xe2: {  	v0 =	vld [tilespmem:s6+$0x40E0]  }
0xe3: {  	v7 =	vld.idx.msk [tilespmem:v2+s3+$0x0], $0xffff  }
0xe4: {  	v5 =	vld.idx.msk [tilespmem:v3+s3+$0x0], $0xffff  }
0xe5: {  	v3 =	vld.idx.msk [tilespmem:v8+s3+$0x0], $0xffff  }
0xe6: {  	s8 =	simm.s32 $0x0;
	v2 =	vld.idx.msk [tilespmem:v9+s3+$0x0], $0xffff  }
.LBB2_10:
0xe7: {  	s7 =	sadd.s32 $0x80, s7;
	v6 =	vld.idx.msk [tilespmem:v6+s3+$0x0], $0xffff;
	s5 =	sadd.s32 $0x400, s5  }
0xe8: {  	s8 =	sadd.s32 $0x20, s8;
	s9 =	sand.u32 $0x3000, s7;
	s10 =	sand.u32 $0xC00, s5;
	v4 =	vld.idx.msk [tilespmem:v4+s3+$0x0], $0xffff  }
0xe9: {  	p0 =	slt.u32 s7, $0x3F80;
	s9 =	sor.u32 s9, s10;
	s10 =	sand.u32 $0x380, s8;
	v1 =	vld.idx.msk [tilespmem:v1+s3+$0x0], $0xffff;
	[tilespmem:s6+$0x100F0] =	vst v7  }
0xea: {  	s9 =	sor.u32 s10, s9;
	[tilespmem:s6+$0x10080] =	vst v5;
	v0 =	vld.idx.msk [tilespmem:v0+s3+$0x0], $0xffff  }
0xeb: {  	v5 =	vld [tilespmem:s9+$0x40F0];
	[tilespmem:s6+$0x10090] =	vst v3  }
0xec: {  	v3 =	vld [tilespmem:s9+$0x4080];
	[tilespmem:s6+$0x100A0] =	vst v2  }
0xed: {  	v2 =	vld [tilespmem:s9+$0x4090];
	[tilespmem:s6+$0x100B0] =	vst v6  }
0xee: {  	v8 =	vld [tilespmem:s9+$0x40A0];
	[tilespmem:s6+$0x100C0] =	vst v4  }
0xef: {  	v6 =	vld [tilespmem:s9+$0x40B0];
	[tilespmem:s6+$0x100D0] =	vst v1  }
0xf0: {  	v4 =	vld [tilespmem:s9+$0x40C0];
	[tilespmem:s6+$0x100E0] =	vst v0;
	s6 =	smov.u32 s9  }
0xf1: {  	v1 =	vld [tilespmem:s6+$0x40D0]  }
.Ltmp4:
0xf2: {  	v0 =	vld [tilespmem:s6+$0x40E0];
	(pc) =	sbr.rel @p0 .LBB2_10-.Ltmp4, $4  }
0xf3: {  	v7 =	vld.idx.msk [tilespmem:v5+s3+$0x0], $0xffff  }
0xf4: {  	v5 =	vld.idx.msk [tilespmem:v3+s3+$0x0], $0xffff  }
0xf5: {  	v3 =	vld.idx.msk [tilespmem:v2+s3+$0x0], $0xffff  }
0xf6: {  	v2 =	vld.idx.msk [tilespmem:v8+s3+$0x0], $0xffff  }
0xf7: {  	_ =	sdelay $0x3  }
0xf8: {  	v6 =	vld.idx.msk [tilespmem:v6+s3+$0x0], $0xffff  }
0xf9: {  	v4 =	vld.idx.msk [tilespmem:v4+s3+$0x0], $0xffff;
	[tilespmem:s6+$0x100F0] =	vst v7  }
0xfa: {  	v1 =	vld.idx.msk [tilespmem:v1+s3+$0x0], $0xffff;
	[tilespmem:s6+$0x10080] =	vst v5  }
0xfb: {  	v0 =	vld.idx.msk [tilespmem:v0+s3+$0x0], $0xffff;
	[tilespmem:s6+$0x10090] =	vst v3  }
0xfc: {  	[tilespmem:s6+$0x100A0] =	vst v2  }
0xfd: {  	[tilespmem:s6+$0x100B0] =	vst v6  }
0xfe: {  	[tilespmem:s6+$0x100C0] =	vst v4  }
0xff: {  	[tilespmem:s6+$0x100D0] =	vst v1  }
0x100: {  	s5 =	simm.s32 $0x0;
	[tilespmem:s6+$0x100E0] =	vst v0  }
0x101: {  	[hbm4b:s15+s5] =	stream.linear.scatter [tilespmem:s29], [sflag:$0x5], $0x4000, $0x38;
	[tilespmem:$0x18080] =	vst v63  }
0x102: {  	_ = 	snop  }
0x103: {  	[tilespmem:s22], [sflag:$0x2] =	stream.linear.gather [hbm4b:s16+s5], $0x4000, $0x38;
	[tilespmem:$0x18080] =	vst v63  }
0x104: {  	_ =	swait.ge [sflag:s30], $0x4000  }
0x105: {  	[sflag:s30] =	ssyncset.done $0x0  }
0x106: {  	s7 =	simm.s32 $0x0;
	[sflag:s30] =	ssyncadd.s32 $0xFFFFC000  }
0x107: {  	s9 =	sand.u32 $0x3000, s7;
	s8 =	sand.u32 $0xC00, s5;
	_ =	swait.ge [sflag:s1], $0x4000  }
0x108: {  	s10 =	sand.u32 $0x380, s5;
	s6 =	sor.u32 s9, s8;
	[sflag:s1] =	ssyncset.done $0x0  }
0x109: {  	s6 =	sor.u32 s10, s6;
	[sflag:s1] =	ssyncadd.s32 $0xFFFFC000  }
0x10a: {  	v2 =	vld [tilespmem:s6+$0x80F0]  }
0x10b: {  	v3 =	vld [tilespmem:s6+$0x8080]  }
0x10c: {  	v8 =	vld [tilespmem:s6+$0x8090]  }
0x10d: {  	v9 =	vld [tilespmem:s6+$0x80A0]  }
0x10e: {  	v6 =	vld [tilespmem:s6+$0x80B0]  }
0x10f: {  	v4 =	vld [tilespmem:s6+$0x80C0]  }
0x110: {  	v1 =	vld [tilespmem:s6+$0x80D0]  }
0x111: {  	v0 =	vld [tilespmem:s6+$0x80E0]  }
0x112: {  	v7 =	vld.idx.msk [tilespmem:v2+s3+$0x0], $0xffff  }
0x113: {  	v5 =	vld.idx.msk [tilespmem:v3+s3+$0x0], $0xffff  }
0x114: {  	v3 =	vld.idx.msk [tilespmem:v8+s3+$0x0], $0xffff  }
0x115: {  	s8 =	simm.s32 $0x0;
	v2 =	vld.idx.msk [tilespmem:v9+s3+$0x0], $0xffff  }
.LBB2_12:
0x116: {  	s7 =	sadd.s32 $0x80, s7;
	v6 =	vld.idx.msk [tilespmem:v6+s3+$0x0], $0xffff;
	s5 =	sadd.s32 $0x400, s5  }
0x117: {  	s8 =	sadd.s32 $0x20, s8;
	s9 =	sand.u32 $0x3000, s7;
	s10 =	sand.u32 $0xC00, s5;
	v4 =	vld.idx.msk [tilespmem:v4+s3+$0x0], $0xffff  }
0x118: {  	p0 =	slt.u32 s7, $0x3F80;
	s9 =	sor.u32 s9, s10;
	s10 =	sand.u32 $0x380, s8;
	v1 =	vld.idx.msk [tilespmem:v1+s3+$0x0], $0xffff;
	[tilespmem:s6+$0x140F0] =	vst v7  }
0x119: {  	s9 =	sor.u32 s10, s9;
	[tilespmem:s6+$0x14080] =	vst v5;
	v0 =	vld.idx.msk [tilespmem:v0+s3+$0x0], $0xffff  }
0x11a: {  	v5 =	vld [tilespmem:s9+$0x80F0];
	[tilespmem:s6+$0x14090] =	vst v3  }
0x11b: {  	v3 =	vld [tilespmem:s9+$0x8080];
	[tilespmem:s6+$0x140A0] =	vst v2  }
0x11c: {  	v2 =	vld [tilespmem:s9+$0x8090];
	[tilespmem:s6+$0x140B0] =	vst v6  }
0x11d: {  	v8 =	vld [tilespmem:s9+$0x80A0];
	[tilespmem:s6+$0x140C0] =	vst v4  }
0x11e: {  	v6 =	vld [tilespmem:s9+$0x80B0];
	[tilespmem:s6+$0x140D0] =	vst v1  }
0x11f: {  	v4 =	vld [tilespmem:s9+$0x80C0];
	[tilespmem:s6+$0x140E0] =	vst v0;
	s6 =	smov.u32 s9  }
0x120: {  	v1 =	vld [tilespmem:s6+$0x80D0]  }
.Ltmp5:
0x121: {  	v0 =	vld [tilespmem:s6+$0x80E0];
	(pc) =	sbr.rel @p0 .LBB2_12-.Ltmp5, $4  }
0x122: {  	v7 =	vld.idx.msk [tilespmem:v5+s3+$0x0], $0xffff  }
0x123: {  	v5 =	vld.idx.msk [tilespmem:v3+s3+$0x0], $0xffff  }
0x124: {  	v3 =	vld.idx.msk [tilespmem:v2+s3+$0x0], $0xffff  }
0x125: {  	v2 =	vld.idx.msk [tilespmem:v8+s3+$0x0], $0xffff  }
0x126: {  	_ =	sdelay $0x3  }
0x127: {  	v6 =	vld.idx.msk [tilespmem:v6+s3+$0x0], $0xffff  }
0x128: {  	v4 =	vld.idx.msk [tilespmem:v4+s3+$0x0], $0xffff;
	[tilespmem:s6+$0x140F0] =	vst v7  }
0x129: {  	v1 =	vld.idx.msk [tilespmem:v1+s3+$0x0], $0xffff;
	[tilespmem:s6+$0x14080] =	vst v5  }
0x12a: {  	v0 =	vld.idx.msk [tilespmem:v0+s3+$0x0], $0xffff;
	[tilespmem:s6+$0x14090] =	vst v3  }
0x12b: {  	[tilespmem:s6+$0x140A0] =	vst v2  }
0x12c: {  	[tilespmem:s6+$0x140B0] =	vst v6  }
0x12d: {  	[tilespmem:s6+$0x140C0] =	vst v4  }
0x12e: {  	[tilespmem:s6+$0x140D0] =	vst v1  }
0x12f: {  	s5 =	simm.s32 $0x0;
	[tilespmem:s6+$0x140E0] =	vst v0  }
0x130: {  	[hbm4b:s17+s5] =	stream.linear.scatter [tilespmem:s31], [sflag:$0x6], $0x4000, $0x38;
	[tilespmem:$0x18080] =	vst v63  }
0x131: {  	_ =	swait.ge [sflag:s25], $0x4000  }
0x132: {  	[sflag:s25] =	ssyncset.done $0x0  }
0x133: {  	s7 =	simm.s32 $0x0;
	[sflag:s25] =	ssyncadd.s32 $0xFFFFC000  }
0x134: {  	s9 =	sand.u32 $0x3000, s7;
	s8 =	sand.u32 $0xC00, s5;
	_ =	swait.ge [sflag:s0], $0x4000  }
0x135: {  	s10 =	sand.u32 $0x380, s5;
	s6 =	sor.u32 s9, s8;
	[sflag:s0] =	ssyncset.done $0x0  }
0x136: {  	s6 =	sor.u32 s10, s6;
	[sflag:s0] =	ssyncadd.s32 $0xFFFFC000  }
0x137: {  	v2 =	vld [tilespmem:s6+$0xF0]  }
0x138: {  	v3 =	vld [tilespmem:s6+$0x80]  }
0x139: {  	v8 =	vld [tilespmem:s6+$0x90]  }
0x13a: {  	v9 =	vld [tilespmem:s6+$0xA0]  }
0x13b: {  	v6 =	vld [tilespmem:s6+$0xB0]  }
0x13c: {  	v4 =	vld [tilespmem:s6+$0xC0]  }
0x13d: {  	v1 =	vld [tilespmem:s6+$0xD0]  }
0x13e: {  	v0 =	vld [tilespmem:s6+$0xE0]  }
0x13f: {  	v7 =	vld.idx.msk [tilespmem:v2+s3+$0x0], $0xffff  }
0x140: {  	v5 =	vld.idx.msk [tilespmem:v3+s3+$0x0], $0xffff  }
0x141: {  	v3 =	vld.idx.msk [tilespmem:v8+s3+$0x0], $0xffff  }
0x142: {  	s8 =	simm.s32 $0x0;
	v2 =	vld.idx.msk [tilespmem:v9+s3+$0x0], $0xffff  }
.LBB2_14:
0x143: {  	s7 =	sadd.s32 $0x80, s7;
	v6 =	vld.idx.msk [tilespmem:v6+s3+$0x0], $0xffff;
	s5 =	sadd.s32 $0x400, s5  }
0x144: {  	s8 =	sadd.s32 $0x20, s8;
	s9 =	sand.u32 $0x3000, s7;
	s10 =	sand.u32 $0xC00, s5;
	v4 =	vld.idx.msk [tilespmem:v4+s3+$0x0], $0xffff  }
0x145: {  	p0 =	slt.u32 s7, $0x3F80;
	s9 =	sor.u32 s9, s10;
	s10 =	sand.u32 $0x380, s8;
	v1 =	vld.idx.msk [tilespmem:v1+s3+$0x0], $0xffff;
	[tilespmem:s6+$0xC0F0] =	vst v7  }
0x146: {  	s9 =	sor.u32 s10, s9;
	[tilespmem:s6+$0xC080] =	vst v5;
	v0 =	vld.idx.msk [tilespmem:v0+s3+$0x0], $0xffff  }
0x147: {  	v5 =	vld [tilespmem:s9+$0xF0];
	[tilespmem:s6+$0xC090] =	vst v3  }
0x148: {  	v3 =	vld [tilespmem:s9+$0x80];
	[tilespmem:s6+$0xC0A0] =	vst v2  }
0x149: {  	v2 =	vld [tilespmem:s9+$0x90];
	[tilespmem:s6+$0xC0B0] =	vst v6  }
0x14a: {  	v8 =	vld [tilespmem:s9+$0xA0];
	[tilespmem:s6+$0xC0C0] =	vst v4  }
0x14b: {  	v6 =	vld [tilespmem:s9+$0xB0];
	[tilespmem:s6+$0xC0D0] =	vst v1  }
0x14c: {  	v4 =	vld [tilespmem:s9+$0xC0];
	[tilespmem:s6+$0xC0E0] =	vst v0;
	s6 =	smov.u32 s9  }
0x14d: {  	v1 =	vld [tilespmem:s6+$0xD0]  }
.Ltmp6:
0x14e: {  	v0 =	vld [tilespmem:s6+$0xE0];
	(pc) =	sbr.rel @p0 .LBB2_14-.Ltmp6, $4  }
0x14f: {  	v7 =	vld.idx.msk [tilespmem:v5+s3+$0x0], $0xffff  }
0x150: {  	v5 =	vld.idx.msk [tilespmem:v3+s3+$0x0], $0xffff  }
0x151: {  	v3 =	vld.idx.msk [tilespmem:v2+s3+$0x0], $0xffff  }
0x152: {  	v2 =	vld.idx.msk [tilespmem:v8+s3+$0x0], $0xffff  }
0x153: {  	_ =	sdelay $0x3  }
0x154: {  	v6 =	vld.idx.msk [tilespmem:v6+s3+$0x0], $0xffff  }
0x155: {  	v4 =	vld.idx.msk [tilespmem:v4+s3+$0x0], $0xffff;
	[tilespmem:s6+$0xC0F0] =	vst v7  }
0x156: {  	v1 =	vld.idx.msk [tilespmem:v1+s3+$0x0], $0xffff;
	[tilespmem:s6+$0xC080] =	vst v5  }
0x157: {  	v0 =	vld.idx.msk [tilespmem:v0+s3+$0x0], $0xffff;
	[tilespmem:s6+$0xC090] =	vst v3  }
0x158: {  	[tilespmem:s6+$0xC0A0] =	vst v2  }
0x159: {  	[tilespmem:s6+$0xC0B0] =	vst v6  }
0x15a: {  	[tilespmem:s6+$0xC0C0] =	vst v4  }
0x15b: {  	[tilespmem:s6+$0xC0D0] =	vst v1  }
0x15c: {  	s5 =	simm.s32 $0x0;
	[tilespmem:s6+$0xC0E0] =	vst v0  }
0x15d: {  	[hbm4b:s18+s5] =	stream.linear.scatter [tilespmem:s26], [sflag:$0x4], $0x4000, $0x38;
	[tilespmem:$0x18080] =	vst v63  }
0x15e: {  	_ =	swait.ge [sflag:s28], $0x4000  }
0x15f: {  	[sflag:s28] =	ssyncset.done $0x0  }
0x160: {  	s7 =	simm.s32 $0x0;
	[sflag:s28] =	ssyncadd.s32 $0xFFFFC000  }
0x161: {  	s9 =	sand.u32 $0x3000, s7;
	s8 =	sand.u32 $0xC00, s5;
	_ =	swait.ge [sflag:s2], $0x4000  }
0x162: {  	s10 =	sand.u32 $0x380, s5;
	s6 =	sor.u32 s9, s8;
	[sflag:s2] =	ssyncset.done $0x0  }
0x163: {  	s6 =	sor.u32 s10, s6;
	[sflag:s2] =	ssyncadd.s32 $0xFFFFC000  }
0x164: {  	v2 =	vld [tilespmem:s6+$0x40F0]  }
0x165: {  	v3 =	vld [tilespmem:s6+$0x4080]  }
0x166: {  	v8 =	vld [tilespmem:s6+$0x4090]  }
0x167: {  	v9 =	vld [tilespmem:s6+$0x40A0]  }
0x168: {  	v6 =	vld [tilespmem:s6+$0x40B0]  }
0x169: {  	v4 =	vld [tilespmem:s6+$0x40C0]  }
0x16a: {  	v1 =	vld [tilespmem:s6+$0x40D0]  }
0x16b: {  	v0 =	vld [tilespmem:s6+$0x40E0]  }
0x16c: {  	v7 =	vld.idx.msk [tilespmem:v2+s3+$0x0], $0xffff  }
0x16d: {  	v5 =	vld.idx.msk [tilespmem:v3+s3+$0x0], $0xffff  }
0x16e: {  	v3 =	vld.idx.msk [tilespmem:v8+s3+$0x0], $0xffff  }
0x16f: {  	s8 =	simm.s32 $0x0;
	v2 =	vld.idx.msk [tilespmem:v9+s3+$0x0], $0xffff  }
.LBB2_16:
0x170: {  	s7 =	sadd.s32 $0x80, s7;
	v6 =	vld.idx.msk [tilespmem:v6+s3+$0x0], $0xffff;
	s5 =	sadd.s32 $0x400, s5  }
0x171: {  	s8 =	sadd.s32 $0x20, s8;
	s9 =	sand.u32 $0x3000, s7;
	s10 =	sand.u32 $0xC00, s5;
	v4 =	vld.idx.msk [tilespmem:v4+s3+$0x0], $0xffff  }
0x172: {  	p0 =	slt.u32 s7, $0x3F80;
	s9 =	sor.u32 s9, s10;
	s10 =	sand.u32 $0x380, s8;
	v1 =	vld.idx.msk [tilespmem:v1+s3+$0x0], $0xffff;
	[tilespmem:s6+$0x100F0] =	vst v7  }
0x173: {  	s9 =	sor.u32 s10, s9;
	[tilespmem:s6+$0x10080] =	vst v5;
	v0 =	vld.idx.msk [tilespmem:v0+s3+$0x0], $0xffff  }
0x174: {  	v5 =	vld [tilespmem:s9+$0x40F0];
	[tilespmem:s6+$0x10090] =	vst v3  }
0x175: {  	v3 =	vld [tilespmem:s9+$0x4080];
	[tilespmem:s6+$0x100A0] =	vst v2  }
0x176: {  	v2 =	vld [tilespmem:s9+$0x4090];
	[tilespmem:s6+$0x100B0] =	vst v6  }
0x177: {  	v8 =	vld [tilespmem:s9+$0x40A0];
	[tilespmem:s6+$0x100C0] =	vst v4  }
0x178: {  	v6 =	vld [tilespmem:s9+$0x40B0];
	[tilespmem:s6+$0x100D0] =	vst v1  }
0x179: {  	v4 =	vld [tilespmem:s9+$0x40C0];
	[tilespmem:s6+$0x100E0] =	vst v0;
	s6 =	smov.u32 s9  }
0x17a: {  	v1 =	vld [tilespmem:s6+$0x40D0]  }
.Ltmp7:
0x17b: {  	v0 =	vld [tilespmem:s6+$0x40E0];
	(pc) =	sbr.rel @p0 .LBB2_16-.Ltmp7, $4  }
0x17c: {  	v7 =	vld.idx.msk [tilespmem:v5+s3+$0x0], $0xffff  }
0x17d: {  	v5 =	vld.idx.msk [tilespmem:v3+s3+$0x0], $0xffff  }
0x17e: {  	v3 =	vld.idx.msk [tilespmem:v2+s3+$0x0], $0xffff  }
0x17f: {  	v2 =	vld.idx.msk [tilespmem:v8+s3+$0x0], $0xffff  }
0x180: {  	_ =	sdelay $0x3  }
0x181: {  	v6 =	vld.idx.msk [tilespmem:v6+s3+$0x0], $0xffff  }
0x182: {  	v4 =	vld.idx.msk [tilespmem:v4+s3+$0x0], $0xffff;
	[tilespmem:s6+$0x100F0] =	vst v7  }
0x183: {  	v1 =	vld.idx.msk [tilespmem:v1+s3+$0x0], $0xffff;
	[tilespmem:s6+$0x10080] =	vst v5  }
0x184: {  	v0 =	vld.idx.msk [tilespmem:v0+s3+$0x0], $0xffff;
	[tilespmem:s6+$0x10090] =	vst v3  }
0x185: {  	[tilespmem:s6+$0x100A0] =	vst v2  }
0x186: {  	[tilespmem:s6+$0x100B0] =	vst v6  }
0x187: {  	[tilespmem:s6+$0x100C0] =	vst v4  }
0x188: {  	[tilespmem:s6+$0x100D0] =	vst v1  }
0x189: {  	[tilespmem:s6+$0x100E0] =	vst v0  }
0x18a: {  	[hbm4b:s19+s3] =	stream.linear.scatter [tilespmem:s29], [sflag:$0x5], $0x4000, $0x38;
	[tilespmem:$0x18080] =	vst v63  }
0x18b: {  	_ =	swait.ge [sflag:s1], $0x4000  }
0x18c: {  	[sflag:s1] =	ssyncset.done $0x0  }
0x18d: {  	s4 =	sadd.s32 $0x1, s4;
	[sflag:s1] =	ssyncadd.s32 $0xFFFFC000  }
0x18e: {  	p0 =	sne.s32 s4, s20;
	_ =	swait.ge [sflag:s0], $0x4000  }
.Ltmp8:
0x18f: {  	[sflag:s0] =	ssyncset.done $0x0;
	(pc) =	sbr.rel @p0 .LBB2_1-.Ltmp8, $4  }
0x190: {  	[sflag:s0] =	ssyncadd.s32 $0xFFFFC000  }
0x191: {  	_ =	swait.ge [sflag:s2], $0x4000  }
0x192: {  	[sflag:s2] =	ssyncset.done $0x0  }
0x193: {  	[sflag:s2] =	ssyncadd.s32 $0xFFFFC000  }
0x194: {  	_ =	sfence.sel $0x180000  }
0x195: {  	[bflag:$0x0] =	sbarrier.arrive $0xFFFF  }
0x196: {  	_ =	strace $0x90000047  }
0x197: {  	s0 =	stileid.u32;
	[bflag:$0x2] =	sbarrier.arrive $0xFFFF  }
0x198: {  	p0 =	sne.s32 s0, $0x0;
	s0 =	rddreg [dreg:$0x3]  }
0x199: {  	s0 =	sadd.s32 @!p0 $0x100000, s0  }
0x19a: {  	[sflag:s0] =	ssyncadd.tile.s32 @!p0 $0x1;
	_ =	shalt  }
.Lfunc_end2:
_tile_overlayer_lowered:
.L_overlay_start_2:
0x19b: {  	(tag) =	ssettag $0x2  }
0x19c: {  	s0 =	rddreg [dreg:$0x0];
	s2 =	stileid.u32  }
0x19d: {  	s1 =	rddreg [dreg:$0x1];
	p0 =	sne.s32 s2, $0x0  }
0x19e: {  	s3 =	rddreg [dreg:$0x2];
	[bflag:$0x3] =	sbarrier.arrive $0xFFFF;
	s2 =	simm.s32 @!p0 $0x1C07  }
0x19f: {  	[timem:s3], [sflag:s2] =	dma.local @!p0 [hbm:s0], s1  }
0x1a0: {  	s0 =	simm.s32 @!p0 $0x7  }
0x1a1: {  	_ =	swait.ge @!p0 [sflag:s0], s1  }
0x1a2: {  	s1 =	ssub.s32 @!p0 $0x0, s1;
	[sflag:s0] =	ssyncset.done @!p0 $0x0  }
0x1a3: {  	[sflag:s0] =	ssyncadd.s32 @!p0 s1  }
0x1a4: {  	[bflag:$0x3] =	sbarrier.arrive $0xFFFF  }
0x1a5: {  	_ =	shalt  }

</sc_bundles>
